<compile_context>
chip_gen: v7x
topology: tpu7x:2x2x1
jax: 0.10.2.dev20260603
libtpu: 0.0.44.dev20260713+nightly
codegen_flags: <defaults>
</compile_context>

<pallas_src>
import jax
import jax.numpy as jnp
from jax.experimental import pallas as pl
from jax.experimental.pallas import tpu as pltpu

_STRIDE = 4.0
_NMS_THRESH = 0.7
_PRE = 2000
_POST = 1000
_BIG_NEG = -1e9
_ROWS, _LANES = 16, 128
_PAD = _ROWS * _LANES
_UNROLL = 4


def _make_nms_body(num_images):
    def _nms_body(piv_ref, data_ref, out_ref):
        bx1 = []
        by1 = []
        bx2 = []
        by2 = []
        area = []
        for b in range(num_images):
            cx = data_ref[b, 0]
            cy = data_ref[b, 1]
            x1 = cx + data_ref[b, 2] * _STRIDE
            y1 = cy + data_ref[b, 3] * _STRIDE
            x2 = cx + data_ref[b, 4] * _STRIDE
            y2 = cy + data_ref[b, 5] * _STRIDE
            bx1.append(jnp.minimum(x1, x2))
            bx2.append(jnp.maximum(x1, x2))
            by1.append(jnp.minimum(y1, y2))
            by2.append(jnp.maximum(y1, y2))
            area.append(jnp.maximum(bx2[b] - bx1[b], 0.0)
                        * jnp.maximum(by2[b] - by1[b], 0.0))
        pos = (jax.lax.broadcasted_iota(jnp.int32, (_ROWS, _LANES), 0) * _LANES
               + jax.lax.broadcasted_iota(jnp.int32, (_ROWS, _LANES), 1))

        def body(g, keeps):
            i0 = g * _UNROLL
            new_keeps = []
            for b in range(num_images):
                keep = keeps[b]
                pb = [(piv_ref[b, 0, i0 + a], piv_ref[b, 1, i0 + a],
                       piv_ref[b, 2, i0 + a], piv_ref[b, 3, i0 + a],
                       piv_ref[b, 4, i0 + a]) for a in range(_UNROLL)]
                kr = [jnp.sum(jnp.where(pos == i0 + a, keep, 0.0)) > 0.0
                      for a in range(_UNROLL)]
                keff = [kr[0]]
                for a in range(1, _UNROLL):
                    k = kr[a]
                    for c in range(a):
                        sx1 = jnp.maximum(pb[c][0], pb[a][0])
                        sy1 = jnp.maximum(pb[c][1], pb[a][1])
                        sx2 = jnp.minimum(pb[c][2], pb[a][2])
                        sy2 = jnp.minimum(pb[c][3], pb[a][3])
                        sint = (jnp.maximum(sx2 - sx1, 0.0)
                                * jnp.maximum(sy2 - sy1, 0.0))
                        sun = pb[c][4] + pb[a][4] - sint
                        scond = sint > _NMS_THRESH * jnp.maximum(sun, 1e-6)
                        k = k & jnp.logical_not(keff[c] & scond)
                    keff.append(k)
                for a in range(_UNROLL):
                    xx1 = jnp.maximum(bx1[b], pb[a][0])
                    yy1 = jnp.maximum(by1[b], pb[a][1])
                    xx2 = jnp.minimum(bx2[b], pb[a][2])
                    yy2 = jnp.minimum(by2[b], pb[a][3])
                    inter = (jnp.maximum(xx2 - xx1, 0.0)
                             * jnp.maximum(yy2 - yy1, 0.0))
                    union = area[b] + pb[a][4] - inter
                    supp = ((inter > _NMS_THRESH * jnp.maximum(union, 1e-6))
                            & (pos > i0 + a))
                    keep = jnp.where(supp & keff[a], 0.0, keep)
                new_keeps.append(keep)
            return tuple(new_keeps)

        keep0 = (pos < _PRE).astype(jnp.float32)
        keeps = jax.lax.fori_loop(0, _PRE // _UNROLL, body,
                                  tuple(keep0 for _ in range(num_images)))
        for b in range(num_images):
            out_ref[b, 0] = bx1[b]
            out_ref[b, 1] = by1[b]
            out_ref[b, 2] = bx2[b]
            out_ref[b, 3] = by2[b]
            out_ref[b, 4] = keeps[b]
    return _nms_body


@jax.jit
def kernel(pred_objectness_logits, pred_deltas):
    B, _, H, W = pred_objectness_logits.shape
    HW = H * W
    logits = pred_objectness_logits.reshape(B, HW)
    top_scores, top_idx = jax.lax.top_k(logits, _PRE)
    dflat = pred_deltas.reshape(B, 4, HW)
    d = jnp.take_along_axis(dflat, top_idx[:, None, :], axis=2)
    cx = (top_idx % W).astype(jnp.float32) * _STRIDE
    cy = (top_idx // W).astype(jnp.float32) * _STRIDE
    data = jnp.concatenate([cx[:, None, :], cy[:, None, :], d], axis=1)
    data = jnp.pad(data, ((0, 0), (0, 0), (0, _PAD - _PRE)))
    data = data.reshape(B, 6, _ROWS, _LANES)

    px1 = cx + d[:, 0] * _STRIDE
    py1 = cy + d[:, 1] * _STRIDE
    px2 = cx + d[:, 2] * _STRIDE
    py2 = cy + d[:, 3] * _STRIDE
    pbx1 = jnp.minimum(px1, px2)
    pbx2 = jnp.maximum(px1, px2)
    pby1 = jnp.minimum(py1, py2)
    pby2 = jnp.maximum(py1, py2)
    parea = jnp.maximum(pbx2 - pbx1, 0.0) * jnp.maximum(pby2 - pby1, 0.0)
    piv = jnp.stack([pbx1, pby1, pbx2, pby2, parea], axis=1)

    out = pl.pallas_call(
        _make_nms_body(B),
        in_specs=[
            pl.BlockSpec(memory_space=pltpu.SMEM),
            pl.BlockSpec(memory_space=pltpu.VMEM),
        ],
        out_specs=pl.BlockSpec(memory_space=pltpu.VMEM),
        out_shape=jax.ShapeDtypeStruct((B, 5, _ROWS, _LANES), jnp.float32),
    )(piv, data)

    out = out.reshape(B, 5, _PAD)[:, :, :_PRE]
    boxes = jnp.transpose(out[:, :4, :], (0, 2, 1))
    keep = out[:, 4, :] > 0.5
    order = jnp.argsort(jnp.where(keep, 0, 1), axis=1, stable=True)
    sel = order[:, :_POST]
    kept = jnp.take_along_axis(keep, sel, axis=1)
    out_boxes = jnp.take_along_axis(boxes, sel[:, :, None], axis=1)
    out_scores = jnp.where(kept, jnp.take_along_axis(top_scores, sel, axis=1),
                           _BIG_NEG)
    return jnp.concatenate([out_boxes, out_scores[:, :, None]], axis=-1)

# --- scband reference (transcript-rebuilt; emitter-appended) ---
"""Pipeline reference for scband-rep-points-generator-24343874633950 (READ-ONLY COPY).

The authoritative reference and input builder live on the scoring server;
editing this copy changes nothing except your own understanding.
"""

import jax, jax.numpy as jnp
import numpy as np

STRIDE = 4
NMS_THRESH = 0.7
PRE_NMS_TOPK = 2000
POST_NMS_TOPK = 1000
MIN_SIZE = 0.0
BIG_NEG = -1e9


def setup_inputs(seed: int = 0) -> dict:
    key = jax.random.key(seed)
    k1, k2 = jax.random.split(key)
    H, W = 200, 304
    pred_objectness_logits = jax.random.normal(k1, (2, 1, H, W), dtype=jnp.float32)
    pred_deltas = jax.random.normal(k2, (2, 4, H, W), dtype=jnp.float32)
    return {"pred_objectness_logits": pred_objectness_logits, "pred_deltas": pred_deltas}


def _pairwise_iou(boxes):
    x1, y1, x2, y2 = boxes[:, 0], boxes[:, 1], boxes[:, 2], boxes[:, 3]
    area = jnp.maximum(x2 - x1, 0.0) * jnp.maximum(y2 - y1, 0.0)
    xx1 = jnp.maximum(x1[:, None], x1[None, :])
    yy1 = jnp.maximum(y1[:, None], y1[None, :])
    xx2 = jnp.minimum(x2[:, None], x2[None, :])
    yy2 = jnp.minimum(y2[:, None], y2[None, :])
    inter = jnp.maximum(xx2 - xx1, 0.0) * jnp.maximum(yy2 - yy1, 0.0)
    union = area[:, None] + area[None, :] - inter
    return inter / jnp.maximum(union, 1e-6)


def _single_image(logits_flat, boxes):
    # filter boxes smaller than min side length
    w = boxes[:, 2] - boxes[:, 0]
    h = boxes[:, 3] - boxes[:, 1]
    valid = (w >= MIN_SIZE) & (h >= MIN_SIZE)
    scores = jnp.where(valid, logits_flat, BIG_NEG)
    # pre-NMS top-k (sorted by score, descending)
    top_scores, top_idx = jax.lax.top_k(scores, PRE_NMS_TOPK)
    top_boxes = boxes[top_idx]
    # greedy NMS over score-sorted candidates
    ious = _pairwise_iou(top_boxes)
    n = PRE_NMS_TOPK
    idx_range = jnp.arange(n)

    def body(i, keep):
        suppress = (ious[i] > NMS_THRESH) & (idx_range > i)
        return jnp.where(keep[i], keep & (~suppress), keep)

    keep = jax.lax.fori_loop(0, n, body, jnp.ones((n,), dtype=bool))
    # stable sort: kept boxes first, preserving descending score order
    order = jnp.argsort(jnp.where(keep, 0, 1))
    sel = order[:POST_NMS_TOPK]
    kept = keep[sel]
    out_boxes = top_boxes[sel]
    out_scores = jnp.where(kept, top_scores[sel], BIG_NEG)
    return jnp.concatenate([out_boxes, out_scores[:, None]], axis=-1)


def reference(pred_objectness_logits, pred_deltas):
    B, _, H, W = pred_objectness_logits.shape
    # uniform grid of point centers (x, y) scaled by the feature stride
    ys, xs = jnp.meshgrid(jnp.arange(H), jnp.arange(W), indexing='ij')
    centers = jnp.stack([xs, ys], axis=-1).reshape(-1, 2).astype(jnp.float32) * STRIDE
    logits = pred_objectness_logits.reshape(B, -1)
    deltas = jnp.transpose(pred_deltas.reshape(B, 4, -1), (0, 2, 1))  # (B, HW, 4)
    cx = centers[:, 0][None, :]
    cy = centers[:, 1][None, :]
    # points2bbox: offsets from point centers, scaled by stride
    x1 = cx + deltas[:, :, 0] * STRIDE
    y1 = cy + deltas[:, :, 1] * STRIDE
    x2 = cx + deltas[:, :, 2] * STRIDE
    y2 = cy + deltas[:, :, 3] * STRIDE
    bx1 = jnp.minimum(x1, x2)
    bx2 = jnp.maximum(x1, x2)
    by1 = jnp.minimum(y1, y2)
    by2 = jnp.maximum(y1, y2)
    boxes = jnp.stack([bx1, by1, bx2, by2], axis=-1)  # (B, HW, 4)
    out = jax.vmap(_single_image)(logits, boxes)  # (B, POST_NMS_TOPK, 5)
    return out

if __name__ == "__main__":
    import jax
    _d = setup_inputs()
    print(jax.jit(kernel)(*tuple(_d.values())))

</pallas_src>

<mosaic_0001>
module attributes {stable_mosaic.version = 14 : i64} {
  func.func @_nms_body(%arg0: memref<2x5x2000xf32, #tpu.memory_space<smem>>, %arg1: memref<2x6x16x128xf32, #tpu.memory_space<vmem>>, %arg2: memref<2x5x16x128xf32, #tpu.memory_space<vmem>>) attributes {dimension_semantics = [], scalar_prefetch = 0 : i64, scratch_operands = 0 : i64, tpu.core_type = #tpu.core_type<tc>} {
    %get3A = arith.constant 0 : index
    %get3A_0 = arith.constant 0 : index
    %get3A_1 = arith.constant 0 : index
    %get3A_2 = arith.constant 0 : index
    %get3A_3 = vector.load %arg1[%get3A, %get3A_0, %get3A_1, %get3A_2] : memref<2x6x16x128xf32, #tpu.memory_space<vmem>>, vector<1x1x16x128xf32>
    %get3A_4 = vector.shape_cast %get3A_3 : vector<1x1x16x128xf32> to vector<16x128xf32>
    %get3A_5 = arith.constant 0 : index
    %get3A_6 = arith.constant 1 : index
    %get3A_7 = arith.constant 0 : index
    %get3A_8 = arith.constant 0 : index
    %get3A_9 = vector.load %arg1[%get3A_5, %get3A_6, %get3A_7, %get3A_8] : memref<2x6x16x128xf32, #tpu.memory_space<vmem>>, vector<1x1x16x128xf32>
    %get3A_10 = vector.shape_cast %get3A_9 : vector<1x1x16x128xf32> to vector<16x128xf32>
    %get3A_11 = arith.constant 0 : index
    %get3A_12 = arith.constant 2 : index
    %get3A_13 = arith.constant 0 : index
    %get3A_14 = arith.constant 0 : index
    %get3A_15 = vector.load %arg1[%get3A_11, %get3A_12, %get3A_13, %get3A_14] : memref<2x6x16x128xf32, #tpu.memory_space<vmem>>, vector<1x1x16x128xf32>
    %get3A_16 = vector.shape_cast %get3A_15 : vector<1x1x16x128xf32> to vector<16x128xf32>
    %mul3A = arith.constant 4.000000e+00 : f32
    %mul3A_17 = vector.broadcast %mul3A : f32 to vector<16x128xf32>
    %mul3A_18 = arith.mulf %get3A_16, %mul3A_17 : vector<16x128xf32>
    %add3A = arith.addf %get3A_4, %mul3A_18 : vector<16x128xf32>
    %get3A_19 = arith.constant 0 : index
    %get3A_20 = arith.constant 3 : index
    %get3A_21 = arith.constant 0 : index
    %get3A_22 = arith.constant 0 : index
    %get3A_23 = vector.load %arg1[%get3A_19, %get3A_20, %get3A_21, %get3A_22] : memref<2x6x16x128xf32, #tpu.memory_space<vmem>>, vector<1x1x16x128xf32>
    %get3A_24 = vector.shape_cast %get3A_23 : vector<1x1x16x128xf32> to vector<16x128xf32>
    %mul3A_25 = arith.constant 4.000000e+00 : f32
    %mul3A_26 = vector.broadcast %mul3A_25 : f32 to vector<16x128xf32>
    %mul3A_27 = arith.mulf %get3A_24, %mul3A_26 : vector<16x128xf32>
    %add3A_28 = arith.addf %get3A_10, %mul3A_27 : vector<16x128xf32>
    %get3A_29 = arith.constant 0 : index
    %get3A_30 = arith.constant 4 : index
    %get3A_31 = arith.constant 0 : index
    %get3A_32 = arith.constant 0 : index
    %get3A_33 = vector.load %arg1[%get3A_29, %get3A_30, %get3A_31, %get3A_32] : memref<2x6x16x128xf32, #tpu.memory_space<vmem>>, vector<1x1x16x128xf32>
    %get3A_34 = vector.shape_cast %get3A_33 : vector<1x1x16x128xf32> to vector<16x128xf32>
    %mul3A_35 = arith.constant 4.000000e+00 : f32
    %mul3A_36 = vector.broadcast %mul3A_35 : f32 to vector<16x128xf32>
    %mul3A_37 = arith.mulf %get3A_34, %mul3A_36 : vector<16x128xf32>
    %add3A_38 = arith.addf %get3A_4, %mul3A_37 : vector<16x128xf32>
    %get3A_39 = arith.constant 0 : index
    %get3A_40 = arith.constant 5 : index
    %get3A_41 = arith.constant 0 : index
    %get3A_42 = arith.constant 0 : index
    %get3A_43 = vector.load %arg1[%get3A_39, %get3A_40, %get3A_41, %get3A_42] : memref<2x6x16x128xf32, #tpu.memory_space<vmem>>, vector<1x1x16x128xf32>
    %get3A_44 = vector.shape_cast %get3A_43 : vector<1x1x16x128xf32> to vector<16x128xf32>
    %mul3A_45 = arith.constant 4.000000e+00 : f32
    %mul3A_46 = vector.broadcast %mul3A_45 : f32 to vector<16x128xf32>
    %mul3A_47 = arith.mulf %get3A_44, %mul3A_46 : vector<16x128xf32>
    %add3A_48 = arith.addf %get3A_10, %mul3A_47 : vector<16x128xf32>
    %min3A = arith.minimumf %add3A, %add3A_38 : vector<16x128xf32>
    %max3A = arith.maximumf %add3A, %add3A_38 : vector<16x128xf32>
    %min3A_49 = arith.minimumf %add3A_28, %add3A_48 : vector<16x128xf32>
    %max3A_50 = arith.maximumf %add3A_28, %add3A_48 : vector<16x128xf32>
    %sub3A = arith.subf %max3A, %min3A : vector<16x128xf32>
    %max3A_51 = arith.constant 0.000000e+00 : f32
    %max3A_52 = vector.broadcast %max3A_51 : f32 to vector<16x128xf32>
    %max3A_53 = arith.maximumf %sub3A, %max3A_52 : vector<16x128xf32>
    %sub3A_54 = arith.subf %max3A_50, %min3A_49 : vector<16x128xf32>
    %max3A_55 = arith.constant 0.000000e+00 : f32
    %max3A_56 = vector.broadcast %max3A_55 : f32 to vector<16x128xf32>
    %max3A_57 = arith.maximumf %sub3A_54, %max3A_56 : vector<16x128xf32>
    %mul3A_58 = arith.mulf %max3A_53, %max3A_57 : vector<16x128xf32>
    %get3A_59 = arith.constant 1 : index
    %get3A_60 = arith.constant 0 : index
    %get3A_61 = arith.constant 0 : index
    %get3A_62 = arith.constant 0 : index
    %get3A_63 = vector.load %arg1[%get3A_59, %get3A_60, %get3A_61, %get3A_62] : memref<2x6x16x128xf32, #tpu.memory_space<vmem>>, vector<1x1x16x128xf32>
    %get3A_64 = vector.shape_cast %get3A_63 : vector<1x1x16x128xf32> to vector<16x128xf32>
    %get3A_65 = arith.constant 1 : index
    %get3A_66 = arith.constant 1 : index
    %get3A_67 = arith.constant 0 : index
    %get3A_68 = arith.constant 0 : index
    %get3A_69 = vector.load %arg1[%get3A_65, %get3A_66, %get3A_67, %get3A_68] : memref<2x6x16x128xf32, #tpu.memory_space<vmem>>, vector<1x1x16x128xf32>
    %get3A_70 = vector.shape_cast %get3A_69 : vector<1x1x16x128xf32> to vector<16x128xf32>
    %get3A_71 = arith.constant 1 : index
    %get3A_72 = arith.constant 2 : index
    %get3A_73 = arith.constant 0 : index
    %get3A_74 = arith.constant 0 : index
    %get3A_75 = vector.load %arg1[%get3A_71, %get3A_72, %get3A_73, %get3A_74] : memref<2x6x16x128xf32, #tpu.memory_space<vmem>>, vector<1x1x16x128xf32>
    %get3A_76 = vector.shape_cast %get3A_75 : vector<1x1x16x128xf32> to vector<16x128xf32>
    %mul3A_77 = arith.constant 4.000000e+00 : f32
    %mul3A_78 = vector.broadcast %mul3A_77 : f32 to vector<16x128xf32>
    %mul3A_79 = arith.mulf %get3A_76, %mul3A_78 : vector<16x128xf32>
    %add3A_80 = arith.addf %get3A_64, %mul3A_79 : vector<16x128xf32>
    %get3A_81 = arith.constant 1 : index
    %get3A_82 = arith.constant 3 : index
    %get3A_83 = arith.constant 0 : index
    %get3A_84 = arith.constant 0 : index
    %get3A_85 = vector.load %arg1[%get3A_81, %get3A_82, %get3A_83, %get3A_84] : memref<2x6x16x128xf32, #tpu.memory_space<vmem>>, vector<1x1x16x128xf32>
    %get3A_86 = vector.shape_cast %get3A_85 : vector<1x1x16x128xf32> to vector<16x128xf32>
    %mul3A_87 = arith.constant 4.000000e+00 : f32
    %mul3A_88 = vector.broadcast %mul3A_87 : f32 to vector<16x128xf32>
    %mul3A_89 = arith.mulf %get3A_86, %mul3A_88 : vector<16x128xf32>
    %add3A_90 = arith.addf %get3A_70, %mul3A_89 : vector<16x128xf32>
    %get3A_91 = arith.constant 1 : index
    %get3A_92 = arith.constant 4 : index
    %get3A_93 = arith.constant 0 : index
    %get3A_94 = arith.constant 0 : index
    %get3A_95 = vector.load %arg1[%get3A_91, %get3A_92, %get3A_93, %get3A_94] : memref<2x6x16x128xf32, #tpu.memory_space<vmem>>, vector<1x1x16x128xf32>
    %get3A_96 = vector.shape_cast %get3A_95 : vector<1x1x16x128xf32> to vector<16x128xf32>
    %mul3A_97 = arith.constant 4.000000e+00 : f32
    %mul3A_98 = vector.broadcast %mul3A_97 : f32 to vector<16x128xf32>
    %mul3A_99 = arith.mulf %get3A_96, %mul3A_98 : vector<16x128xf32>
    %add3A_100 = arith.addf %get3A_64, %mul3A_99 : vector<16x128xf32>
    %get3A_101 = arith.constant 1 : index
    %get3A_102 = arith.constant 5 : index
    %get3A_103 = arith.constant 0 : index
    %get3A_104 = arith.constant 0 : index
    %get3A_105 = vector.load %arg1[%get3A_101, %get3A_102, %get3A_103, %get3A_104] : memref<2x6x16x128xf32, #tpu.memory_space<vmem>>, vector<1x1x16x128xf32>
    %get3A_106 = vector.shape_cast %get3A_105 : vector<1x1x16x128xf32> to vector<16x128xf32>
    %mul3A_107 = arith.constant 4.000000e+00 : f32
    %mul3A_108 = vector.broadcast %mul3A_107 : f32 to vector<16x128xf32>
    %mul3A_109 = arith.mulf %get3A_106, %mul3A_108 : vector<16x128xf32>
    %add3A_110 = arith.addf %get3A_70, %mul3A_109 : vector<16x128xf32>
    %min3A_111 = arith.minimumf %add3A_80, %add3A_100 : vector<16x128xf32>
    %max3A_112 = arith.maximumf %add3A_80, %add3A_100 : vector<16x128xf32>
    %min3A_113 = arith.minimumf %add3A_90, %add3A_110 : vector<16x128xf32>
    %max3A_114 = arith.maximumf %add3A_90, %add3A_110 : vector<16x128xf32>
    %sub3A_115 = arith.subf %max3A_112, %min3A_111 : vector<16x128xf32>
    %max3A_116 = arith.constant 0.000000e+00 : f32
    %max3A_117 = vector.broadcast %max3A_116 : f32 to vector<16x128xf32>
    %max3A_118 = arith.maximumf %sub3A_115, %max3A_117 : vector<16x128xf32>
    %sub3A_119 = arith.subf %max3A_114, %min3A_113 : vector<16x128xf32>
    %max3A_120 = arith.constant 0.000000e+00 : f32
    %max3A_121 = vector.broadcast %max3A_120 : f32 to vector<16x128xf32>
    %max3A_122 = arith.maximumf %sub3A_119, %max3A_121 : vector<16x128xf32>
    %mul3A_123 = arith.mulf %max3A_118, %max3A_122 : vector<16x128xf32>
    %iota3A = tpu.iota {dimensions = array<i32: 0>} : vector<16x128xi32>
    %mul3A_124 = arith.constant 128 : i32
    %mul3A_125 = vector.broadcast %mul3A_124 : i32 to vector<16x128xi32>
    %mul3A_126 = arith.muli %iota3A, %mul3A_125 : vector<16x128xi32>
    %iota3A_127 = tpu.iota {dimensions = array<i32: 1>} : vector<16x128xi32>
    %add3A_128 = arith.addi %mul3A_126, %iota3A_127 : vector<16x128xi32>
    %lt3A = arith.constant 2000 : i32
    %lt3A_129 = vector.broadcast %lt3A : i32 to vector<16x128xi32>
    %lt3A_130 = arith.cmpi slt, %add3A_128, %lt3A_129 : vector<16x128xi32>
    %convert_element_type3A = arith.extui %lt3A_130 : vector<16x128xi1> to vector<16x128xi32>
    %convert_element_type3A_131 = arith.sitofp %convert_element_type3A : vector<16x128xi32> to vector<16x128xf32>
    %scan3A = arith.constant 0 : i32
    %scan3A_132 = arith.constant 500 : i32
    %scan3A_133 = arith.addi %scan3A, %scan3A_132 : i32
    %scan3A_134 = arith.constant 1 : i32
    %scan3A_135:2 = scf.for %scan3A_206 = %scan3A to %scan3A_133 step %scan3A_134 iter_args(%scan3A_207 = %convert_element_type3A_131, %scan3A_208 = %convert_element_type3A_131) -> (vector<16x128xf32>, vector<16x128xf32>)  : i32 {
      %mul3A_209 = arith.constant 4 : i32
      %mul3A_210 = arith.muli %scan3A_206, %mul3A_209 : i32
      %add3A_211 = arith.constant 0 : i32
      %add3A_212 = arith.addi %mul3A_210, %add3A_211 : i32
      %get3A_213 = arith.constant 0 : index
      %get3A_214 = arith.constant 0 : index
      %get3A_215 = arith.index_cast %add3A_212 : i32 to index
      %get3A_216 = memref.load %arg0[%get3A_213, %get3A_214, %get3A_215] : memref<2x5x2000xf32, #tpu.memory_space<smem>>
      %add3A_217 = arith.constant 0 : i32
      %add3A_218 = arith.addi %mul3A_210, %add3A_217 : i32
      %get3A_219 = arith.constant 0 : index
      %get3A_220 = arith.constant 1 : index
      %get3A_221 = arith.index_cast %add3A_218 : i32 to index
      %get3A_222 = memref.load %arg0[%get3A_219, %get3A_220, %get3A_221] : memref<2x5x2000xf32, #tpu.memory_space<smem>>
      %add3A_223 = arith.constant 0 : i32
      %add3A_224 = arith.addi %mul3A_210, %add3A_223 : i32
      %get3A_225 = arith.constant 0 : index
      %get3A_226 = arith.constant 2 : index
      %get3A_227 = arith.index_cast %add3A_224 : i32 to index
      %get3A_228 = memref.load %arg0[%get3A_225, %get3A_226, %get3A_227] : memref<2x5x2000xf32, #tpu.memory_space<smem>>
      %add3A_229 = arith.constant 0 : i32
      %add3A_230 = arith.addi %mul3A_210, %add3A_229 : i32
      %get3A_231 = arith.constant 0 : index
      %get3A_232 = arith.constant 3 : index
      %get3A_233 = arith.index_cast %add3A_230 : i32 to index
      %get3A_234 = memref.load %arg0[%get3A_231, %get3A_232, %get3A_233] : memref<2x5x2000xf32, #tpu.memory_space<smem>>
      %add3A_235 = arith.constant 0 : i32
      %add3A_236 = arith.addi %mul3A_210, %add3A_235 : i32
      %get3A_237 = arith.constant 0 : index
      %get3A_238 = arith.constant 4 : index
      %get3A_239 = arith.index_cast %add3A_236 : i32 to index
      %get3A_240 = memref.load %arg0[%get3A_237, %get3A_238, %get3A_239] : memref<2x5x2000xf32, #tpu.memory_space<smem>>
      %add3A_241 = arith.constant 1 : i32
      %add3A_242 = arith.addi %mul3A_210, %add3A_241 : i32
      %get3A_243 = arith.constant 0 : index
      %get3A_244 = arith.constant 0 : index
      %get3A_245 = arith.index_cast %add3A_242 : i32 to index
      %get3A_246 = memref.load %arg0[%get3A_243, %get3A_244, %get3A_245] : memref<2x5x2000xf32, #tpu.memory_space<smem>>
      %add3A_247 = arith.constant 1 : i32
      %add3A_248 = arith.addi %mul3A_210, %add3A_247 : i32
      %get3A_249 = arith.constant 0 : index
      %get3A_250 = arith.constant 1 : index
      %get3A_251 = arith.index_cast %add3A_248 : i32 to index
      %get3A_252 = memref.load %arg0[%get3A_249, %get3A_250, %get3A_251] : memref<2x5x2000xf32, #tpu.memory_space<smem>>
      %add3A_253 = arith.constant 1 : i32
      %add3A_254 = arith.addi %mul3A_210, %add3A_253 : i32
      %get3A_255 = arith.constant 0 : index
      %get3A_256 = arith.constant 2 : index
      %get3A_257 = arith.index_cast %add3A_254 : i32 to index
      %get3A_258 = memref.load %arg0[%get3A_255, %get3A_256, %get3A_257] : memref<2x5x2000xf32, #tpu.memory_space<smem>>
      %add3A_259 = arith.constant 1 : i32
      %add3A_260 = arith.addi %mul3A_210, %add3A_259 : i32
      %get3A_261 = arith.constant 0 : index
      %get3A_262 = arith.constant 3 : index
      %get3A_263 = arith.index_cast %add3A_260 : i32 to index
      %get3A_264 = memref.load %arg0[%get3A_261, %get3A_262, %get3A_263] : memref<2x5x2000xf32, #tpu.memory_space<smem>>
      %add3A_265 = arith.constant 1 : i32
      %add3A_266 = arith.addi %mul3A_210, %add3A_265 : i32
      %get3A_267 = arith.constant 0 : index
      %get3A_268 = arith.constant 4 : index
      %get3A_269 = arith.index_cast %add3A_266 : i32 to index
      %get3A_270 = memref.load %arg0[%get3A_267, %get3A_268, %get3A_269] : memref<2x5x2000xf32, #tpu.memory_space<smem>>
      %add3A_271 = arith.constant 2 : i32
      %add3A_272 = arith.addi %mul3A_210, %add3A_271 : i32
      %get3A_273 = arith.constant 0 : index
      %get3A_274 = arith.constant 0 : index
      %get3A_275 = arith.index_cast %add3A_272 : i32 to index
      %get3A_276 = memref.load %arg0[%get3A_273, %get3A_274, %get3A_275] : memref<2x5x2000xf32, #tpu.memory_space<smem>>
      %add3A_277 = arith.constant 2 : i32
      %add3A_278 = arith.addi %mul3A_210, %add3A_277 : i32
      %get3A_279 = arith.constant 0 : index
      %get3A_280 = arith.constant 1 : index
      %get3A_281 = arith.index_cast %add3A_278 : i32 to index
      %get3A_282 = memref.load %arg0[%get3A_279, %get3A_280, %get3A_281] : memref<2x5x2000xf32, #tpu.memory_space<smem>>
      %add3A_283 = arith.constant 2 : i32
      %add3A_284 = arith.addi %mul3A_210, %add3A_283 : i32
      %get3A_285 = arith.constant 0 : index
      %get3A_286 = arith.constant 2 : index
      %get3A_287 = arith.index_cast %add3A_284 : i32 to index
      %get3A_288 = memref.load %arg0[%get3A_285, %get3A_286, %get3A_287] : memref<2x5x2000xf32, #tpu.memory_space<smem>>
      %add3A_289 = arith.constant 2 : i32
      %add3A_290 = arith.addi %mul3A_210, %add3A_289 : i32
      %get3A_291 = arith.constant 0 : index
      %get3A_292 = arith.constant 3 : index
      %get3A_293 = arith.index_cast %add3A_290 : i32 to index
      %get3A_294 = memref.load %arg0[%get3A_291, %get3A_292, %get3A_293] : memref<2x5x2000xf32, #tpu.memory_space<smem>>
      %add3A_295 = arith.constant 2 : i32
      %add3A_296 = arith.addi %mul3A_210, %add3A_295 : i32
      %get3A_297 = arith.constant 0 : index
      %get3A_298 = arith.constant 4 : index
      %get3A_299 = arith.index_cast %add3A_296 : i32 to index
      %get3A_300 = memref.load %arg0[%get3A_297, %get3A_298, %get3A_299] : memref<2x5x2000xf32, #tpu.memory_space<smem>>
      %add3A_301 = arith.constant 3 : i32
      %add3A_302 = arith.addi %mul3A_210, %add3A_301 : i32
      %get3A_303 = arith.constant 0 : index
      %get3A_304 = arith.constant 0 : index
      %get3A_305 = arith.index_cast %add3A_302 : i32 to index
      %get3A_306 = memref.load %arg0[%get3A_303, %get3A_304, %get3A_305] : memref<2x5x2000xf32, #tpu.memory_space<smem>>
      %add3A_307 = arith.constant 3 : i32
      %add3A_308 = arith.addi %mul3A_210, %add3A_307 : i32
      %get3A_309 = arith.constant 0 : index
      %get3A_310 = arith.constant 1 : index
      %get3A_311 = arith.index_cast %add3A_308 : i32 to index
      %get3A_312 = memref.load %arg0[%get3A_309, %get3A_310, %get3A_311] : memref<2x5x2000xf32, #tpu.memory_space<smem>>
      %add3A_313 = arith.constant 3 : i32
      %add3A_314 = arith.addi %mul3A_210, %add3A_313 : i32
      %get3A_315 = arith.constant 0 : index
      %get3A_316 = arith.constant 2 : index
      %get3A_317 = arith.index_cast %add3A_314 : i32 to index
      %get3A_318 = memref.load %arg0[%get3A_315, %get3A_316, %get3A_317] : memref<2x5x2000xf32, #tpu.memory_space<smem>>
      %add3A_319 = arith.constant 3 : i32
      %add3A_320 = arith.addi %mul3A_210, %add3A_319 : i32
      %get3A_321 = arith.constant 0 : index
      %get3A_322 = arith.constant 3 : index
      %get3A_323 = arith.index_cast %add3A_320 : i32 to index
      %get3A_324 = memref.load %arg0[%get3A_321, %get3A_322, %get3A_323] : memref<2x5x2000xf32, #tpu.memory_space<smem>>
      %add3A_325 = arith.constant 3 : i32
      %add3A_326 = arith.addi %mul3A_210, %add3A_325 : i32
      %get3A_327 = arith.constant 0 : index
      %get3A_328 = arith.constant 4 : index
      %get3A_329 = arith.index_cast %add3A_326 : i32 to index
      %get3A_330 = memref.load %arg0[%get3A_327, %get3A_328, %get3A_329] : memref<2x5x2000xf32, #tpu.memory_space<smem>>
      %add3A_331 = arith.constant 0 : i32
      %add3A_332 = arith.addi %mul3A_210, %add3A_331 : i32
      %eq3A = vector.broadcast %add3A_332 : i32 to vector<16x128xi32>
      %eq3A_333 = arith.cmpi eq, %add3A_128, %eq3A : vector<16x128xi32>
      %jit3A = arith.constant 0.000000e+00 : f32
      %broadcast_in_dim3A = vector.broadcast %jit3A : f32 to vector<16x128xf32>
      %select_n3A = arith.select %eq3A_333, %scan3A_207, %broadcast_in_dim3A : vector<16x128xi1>, vector<16x128xf32>
      %reduce_sum3A = vector.shape_cast %select_n3A : vector<16x128xf32> to vector<1x16x128xf32>
      %reduce_sum3A_334 = arith.constant dense<0.000000e+00> : vector<1xf32>
      %reduce_sum3A_335 = vector.multi_reduction <add>, %reduce_sum3A, %reduce_sum3A_334 [1, 2] : vector<1x16x128xf32> to vector<1xf32>
      %reduce_sum3A_336 = vector.shape_cast %reduce_sum3A_335 : vector<1xf32> to vector<1x1x1xf32>
      %reduce_sum3A_337 = vector.extract %reduce_sum3A_336[0, 0, 0] : f32 from vector<1x1x1xf32>
      %gt3A = arith.constant 0.000000e+00 : f32
      %gt3A_338 = arith.cmpf ogt, %reduce_sum3A_337, %gt3A : f32
      %add3A_339 = arith.constant 1 : i32
      %add3A_340 = arith.addi %mul3A_210, %add3A_339 : i32
      %eq3A_341 = vector.broadcast %add3A_340 : i32 to vector<16x128xi32>
      %eq3A_342 = arith.cmpi eq, %add3A_128, %eq3A_341 : vector<16x128xi32>
      %jit3A_343 = arith.constant 0.000000e+00 : f32
      %broadcast_in_dim3A_344 = vector.broadcast %jit3A_343 : f32 to vector<16x128xf32>
      %select_n3A_345 = arith.select %eq3A_342, %scan3A_207, %broadcast_in_dim3A_344 : vector<16x128xi1>, vector<16x128xf32>
      %reduce_sum3A_346 = vector.shape_cast %select_n3A_345 : vector<16x128xf32> to vector<1x16x128xf32>
      %reduce_sum3A_347 = arith.constant dense<0.000000e+00> : vector<1xf32>
      %reduce_sum3A_348 = vector.multi_reduction <add>, %reduce_sum3A_346, %reduce_sum3A_347 [1, 2] : vector<1x16x128xf32> to vector<1xf32>
      %reduce_sum3A_349 = vector.shape_cast %reduce_sum3A_348 : vector<1xf32> to vector<1x1x1xf32>
      %reduce_sum3A_350 = vector.extract %reduce_sum3A_349[0, 0, 0] : f32 from vector<1x1x1xf32>
      %gt3A_351 = arith.constant 0.000000e+00 : f32
      %gt3A_352 = arith.cmpf ogt, %reduce_sum3A_350, %gt3A_351 : f32
      %add3A_353 = arith.constant 2 : i32
      %add3A_354 = arith.addi %mul3A_210, %add3A_353 : i32
      %eq3A_355 = vector.broadcast %add3A_354 : i32 to vector<16x128xi32>
      %eq3A_356 = arith.cmpi eq, %add3A_128, %eq3A_355 : vector<16x128xi32>
      %jit3A_357 = arith.constant 0.000000e+00 : f32
      %broadcast_in_dim3A_358 = vector.broadcast %jit3A_357 : f32 to vector<16x128xf32>
      %select_n3A_359 = arith.select %eq3A_356, %scan3A_207, %broadcast_in_dim3A_358 : vector<16x128xi1>, vector<16x128xf32>
      %reduce_sum3A_360 = vector.shape_cast %select_n3A_359 : vector<16x128xf32> to vector<1x16x128xf32>
      %reduce_sum3A_361 = arith.constant dense<0.000000e+00> : vector<1xf32>
      %reduce_sum3A_362 = vector.multi_reduction <add>, %reduce_sum3A_360, %reduce_sum3A_361 [1, 2] : vector<1x16x128xf32> to vector<1xf32>
      %reduce_sum3A_363 = vector.shape_cast %reduce_sum3A_362 : vector<1xf32> to vector<1x1x1xf32>
      %reduce_sum3A_364 = vector.extract %reduce_sum3A_363[0, 0, 0] : f32 from vector<1x1x1xf32>
      %gt3A_365 = arith.constant 0.000000e+00 : f32
      %gt3A_366 = arith.cmpf ogt, %reduce_sum3A_364, %gt3A_365 : f32
      %add3A_367 = arith.constant 3 : i32
      %add3A_368 = arith.addi %mul3A_210, %add3A_367 : i32
      %eq3A_369 = vector.broadcast %add3A_368 : i32 to vector<16x128xi32>
      %eq3A_370 = arith.cmpi eq, %add3A_128, %eq3A_369 : vector<16x128xi32>
      %jit3A_371 = arith.constant 0.000000e+00 : f32
      %broadcast_in_dim3A_372 = vector.broadcast %jit3A_371 : f32 to vector<16x128xf32>
      %select_n3A_373 = arith.select %eq3A_370, %scan3A_207, %broadcast_in_dim3A_372 : vector<16x128xi1>, vector<16x128xf32>
      %reduce_sum3A_374 = vector.shape_cast %select_n3A_373 : vector<16x128xf32> to vector<1x16x128xf32>
      %reduce_sum3A_375 = arith.constant dense<0.000000e+00> : vector<1xf32>
      %reduce_sum3A_376 = vector.multi_reduction <add>, %reduce_sum3A_374, %reduce_sum3A_375 [1, 2] : vector<1x16x128xf32> to vector<1xf32>
      %reduce_sum3A_377 = vector.shape_cast %reduce_sum3A_376 : vector<1xf32> to vector<1x1x1xf32>
      %reduce_sum3A_378 = vector.extract %reduce_sum3A_377[0, 0, 0] : f32 from vector<1x1x1xf32>
      %gt3A_379 = arith.constant 0.000000e+00 : f32
      %gt3A_380 = arith.cmpf ogt, %reduce_sum3A_378, %gt3A_379 : f32
      %max3A_381 = arith.maximumf %get3A_216, %get3A_246 : f32
      %max3A_382 = arith.maximumf %get3A_222, %get3A_252 : f32
      %min3A_383 = arith.minimumf %get3A_228, %get3A_258 : f32
      %min3A_384 = arith.minimumf %get3A_234, %get3A_264 : f32
      %sub3A_385 = arith.subf %min3A_383, %max3A_381 : f32
      %max3A_386 = arith.constant 0.000000e+00 : f32
      %max3A_387 = arith.maximumf %sub3A_385, %max3A_386 : f32
      %sub3A_388 = arith.subf %min3A_384, %max3A_382 : f32
      %max3A_389 = arith.constant 0.000000e+00 : f32
      %max3A_390 = arith.maximumf %sub3A_388, %max3A_389 : f32
      %mul3A_391 = arith.mulf %max3A_387, %max3A_390 : f32
      %add3A_392 = arith.addf %get3A_240, %get3A_270 : f32
      %sub3A_393 = arith.subf %add3A_392, %mul3A_391 : f32
      %max3A_394 = arith.constant 9.99999997E-7 : f32
      %max3A_395 = arith.maximumf %sub3A_393, %max3A_394 : f32
      %mul3A_396 = arith.constant 0.699999988 : f32
      %mul3A_397 = arith.mulf %mul3A_396, %max3A_395 : f32
      %gt3A_398 = arith.cmpf ogt, %mul3A_391, %mul3A_397 : f32
      %and3A = arith.andi %gt3A_338, %gt3A_398 : i1
      %not3A = arith.constant true
      %not3A_399 = arith.xori %and3A, %not3A : i1
      %and3A_400 = arith.andi %gt3A_352, %not3A_399 : i1
      %max3A_401 = arith.maximumf %get3A_216, %get3A_276 : f32
      %max3A_402 = arith.maximumf %get3A_222, %get3A_282 : f32
      %min3A_403 = arith.minimumf %get3A_228, %get3A_288 : f32
      %min3A_404 = arith.minimumf %get3A_234, %get3A_294 : f32
      %sub3A_405 = arith.subf %min3A_403, %max3A_401 : f32
      %max3A_406 = arith.constant 0.000000e+00 : f32
      %max3A_407 = arith.maximumf %sub3A_405, %max3A_406 : f32
      %sub3A_408 = arith.subf %min3A_404, %max3A_402 : f32
      %max3A_409 = arith.constant 0.000000e+00 : f32
      %max3A_410 = arith.maximumf %sub3A_408, %max3A_409 : f32
      %mul3A_411 = arith.mulf %max3A_407, %max3A_410 : f32
      %add3A_412 = arith.addf %get3A_240, %get3A_300 : f32
      %sub3A_413 = arith.subf %add3A_412, %mul3A_411 : f32
      %max3A_414 = arith.constant 9.99999997E-7 : f32
      %max3A_415 = arith.maximumf %sub3A_413, %max3A_414 : f32
      %mul3A_416 = arith.constant 0.699999988 : f32
      %mul3A_417 = arith.mulf %mul3A_416, %max3A_415 : f32
      %gt3A_418 = arith.cmpf ogt, %mul3A_411, %mul3A_417 : f32
      %and3A_419 = arith.andi %gt3A_338, %gt3A_418 : i1
      %not3A_420 = arith.constant true
      %not3A_421 = arith.xori %and3A_419, %not3A_420 : i1
      %and3A_422 = arith.andi %gt3A_366, %not3A_421 : i1
      %max3A_423 = arith.maximumf %get3A_246, %get3A_276 : f32
      %max3A_424 = arith.maximumf %get3A_252, %get3A_282 : f32
      %min3A_425 = arith.minimumf %get3A_258, %get3A_288 : f32
      %min3A_426 = arith.minimumf %get3A_264, %get3A_294 : f32
      %sub3A_427 = arith.subf %min3A_425, %max3A_423 : f32
      %max3A_428 = arith.constant 0.000000e+00 : f32
      %max3A_429 = arith.maximumf %sub3A_427, %max3A_428 : f32
      %sub3A_430 = arith.subf %min3A_426, %max3A_424 : f32
      %max3A_431 = arith.constant 0.000000e+00 : f32
      %max3A_432 = arith.maximumf %sub3A_430, %max3A_431 : f32
      %mul3A_433 = arith.mulf %max3A_429, %max3A_432 : f32
      %add3A_434 = arith.addf %get3A_270, %get3A_300 : f32
      %sub3A_435 = arith.subf %add3A_434, %mul3A_433 : f32
      %max3A_436 = arith.constant 9.99999997E-7 : f32
      %max3A_437 = arith.maximumf %sub3A_435, %max3A_436 : f32
      %mul3A_438 = arith.constant 0.699999988 : f32
      %mul3A_439 = arith.mulf %mul3A_438, %max3A_437 : f32
      %gt3A_440 = arith.cmpf ogt, %mul3A_433, %mul3A_439 : f32
      %and3A_441 = arith.andi %and3A_400, %gt3A_440 : i1
      %not3A_442 = arith.constant true
      %not3A_443 = arith.xori %and3A_441, %not3A_442 : i1
      %and3A_444 = arith.andi %and3A_422, %not3A_443 : i1
      %max3A_445 = arith.maximumf %get3A_216, %get3A_306 : f32
      %max3A_446 = arith.maximumf %get3A_222, %get3A_312 : f32
      %min3A_447 = arith.minimumf %get3A_228, %get3A_318 : f32
      %min3A_448 = arith.minimumf %get3A_234, %get3A_324 : f32
      %sub3A_449 = arith.subf %min3A_447, %max3A_445 : f32
      %max3A_450 = arith.constant 0.000000e+00 : f32
      %max3A_451 = arith.maximumf %sub3A_449, %max3A_450 : f32
      %sub3A_452 = arith.subf %min3A_448, %max3A_446 : f32
      %max3A_453 = arith.constant 0.000000e+00 : f32
      %max3A_454 = arith.maximumf %sub3A_452, %max3A_453 : f32
      %mul3A_455 = arith.mulf %max3A_451, %max3A_454 : f32
      %add3A_456 = arith.addf %get3A_240, %get3A_330 : f32
      %sub3A_457 = arith.subf %add3A_456, %mul3A_455 : f32
      %max3A_458 = arith.constant 9.99999997E-7 : f32
      %max3A_459 = arith.maximumf %sub3A_457, %max3A_458 : f32
      %mul3A_460 = arith.constant 0.699999988 : f32
      %mul3A_461 = arith.mulf %mul3A_460, %max3A_459 : f32
      %gt3A_462 = arith.cmpf ogt, %mul3A_455, %mul3A_461 : f32
      %and3A_463 = arith.andi %gt3A_338, %gt3A_462 : i1
      %not3A_464 = arith.constant true
      %not3A_465 = arith.xori %and3A_463, %not3A_464 : i1
      %and3A_466 = arith.andi %gt3A_380, %not3A_465 : i1
      %max3A_467 = arith.maximumf %get3A_246, %get3A_306 : f32
      %max3A_468 = arith.maximumf %get3A_252, %get3A_312 : f32
      %min3A_469 = arith.minimumf %get3A_258, %get3A_318 : f32
      %min3A_470 = arith.minimumf %get3A_264, %get3A_324 : f32
      %sub3A_471 = arith.subf %min3A_469, %max3A_467 : f32
      %max3A_472 = arith.constant 0.000000e+00 : f32
      %max3A_473 = arith.maximumf %sub3A_471, %max3A_472 : f32
      %sub3A_474 = arith.subf %min3A_470, %max3A_468 : f32
      %max3A_475 = arith.constant 0.000000e+00 : f32
      %max3A_476 = arith.maximumf %sub3A_474, %max3A_475 : f32
      %mul3A_477 = arith.mulf %max3A_473, %max3A_476 : f32
      %add3A_478 = arith.addf %get3A_270, %get3A_330 : f32
      %sub3A_479 = arith.subf %add3A_478, %mul3A_477 : f32
      %max3A_480 = arith.constant 9.99999997E-7 : f32
      %max3A_481 = arith.maximumf %sub3A_479, %max3A_480 : f32
      %mul3A_482 = arith.constant 0.699999988 : f32
      %mul3A_483 = arith.mulf %mul3A_482, %max3A_481 : f32
      %gt3A_484 = arith.cmpf ogt, %mul3A_477, %mul3A_483 : f32
      %and3A_485 = arith.andi %and3A_400, %gt3A_484 : i1
      %not3A_486 = arith.constant true
      %not3A_487 = arith.xori %and3A_485, %not3A_486 : i1
      %and3A_488 = arith.andi %and3A_466, %not3A_487 : i1
      %max3A_489 = arith.maximumf %get3A_276, %get3A_306 : f32
      %max3A_490 = arith.maximumf %get3A_282, %get3A_312 : f32
      %min3A_491 = arith.minimumf %get3A_288, %get3A_318 : f32
      %min3A_492 = arith.minimumf %get3A_294, %get3A_324 : f32
      %sub3A_493 = arith.subf %min3A_491, %max3A_489 : f32
      %max3A_494 = arith.constant 0.000000e+00 : f32
      %max3A_495 = arith.maximumf %sub3A_493, %max3A_494 : f32
      %sub3A_496 = arith.subf %min3A_492, %max3A_490 : f32
      %max3A_497 = arith.constant 0.000000e+00 : f32
      %max3A_498 = arith.maximumf %sub3A_496, %max3A_497 : f32
      %mul3A_499 = arith.mulf %max3A_495, %max3A_498 : f32
      %add3A_500 = arith.addf %get3A_300, %get3A_330 : f32
      %sub3A_501 = arith.subf %add3A_500, %mul3A_499 : f32
      %max3A_502 = arith.constant 9.99999997E-7 : f32
      %max3A_503 = arith.maximumf %sub3A_501, %max3A_502 : f32
      %mul3A_504 = arith.constant 0.699999988 : f32
      %mul3A_505 = arith.mulf %mul3A_504, %max3A_503 : f32
      %gt3A_506 = arith.cmpf ogt, %mul3A_499, %mul3A_505 : f32
      %and3A_507 = arith.andi %and3A_444, %gt3A_506 : i1
      %not3A_508 = arith.constant true
      %not3A_509 = arith.xori %and3A_507, %not3A_508 : i1
      %and3A_510 = arith.andi %and3A_488, %not3A_509 : i1
      %max3A_511 = vector.broadcast %get3A_216 : f32 to vector<16x128xf32>
      %max3A_512 = arith.maximumf %min3A, %max3A_511 : vector<16x128xf32>
      %max3A_513 = vector.broadcast %get3A_222 : f32 to vector<16x128xf32>
      %max3A_514 = arith.maximumf %min3A_49, %max3A_513 : vector<16x128xf32>
      %min3A_515 = vector.broadcast %get3A_228 : f32 to vector<16x128xf32>
      %min3A_516 = arith.minimumf %max3A, %min3A_515 : vector<16x128xf32>
      %min3A_517 = vector.broadcast %get3A_234 : f32 to vector<16x128xf32>
      %min3A_518 = arith.minimumf %max3A_50, %min3A_517 : vector<16x128xf32>
      %sub3A_519 = arith.subf %min3A_516, %max3A_512 : vector<16x128xf32>
      %max3A_520 = arith.constant 0.000000e+00 : f32
      %max3A_521 = vector.broadcast %max3A_520 : f32 to vector<16x128xf32>
      %max3A_522 = arith.maximumf %sub3A_519, %max3A_521 : vector<16x128xf32>
      %sub3A_523 = arith.subf %min3A_518, %max3A_514 : vector<16x128xf32>
      %max3A_524 = arith.constant 0.000000e+00 : f32
      %max3A_525 = vector.broadcast %max3A_524 : f32 to vector<16x128xf32>
      %max3A_526 = arith.maximumf %sub3A_523, %max3A_525 : vector<16x128xf32>
      %mul3A_527 = arith.mulf %max3A_522, %max3A_526 : vector<16x128xf32>
      %add3A_528 = vector.broadcast %get3A_240 : f32 to vector<16x128xf32>
      %add3A_529 = arith.addf %mul3A_58, %add3A_528 : vector<16x128xf32>
      %sub3A_530 = arith.subf %add3A_529, %mul3A_527 : vector<16x128xf32>
      %max3A_531 = arith.constant 9.99999997E-7 : f32
      %max3A_532 = vector.broadcast %max3A_531 : f32 to vector<16x128xf32>
      %max3A_533 = arith.maximumf %sub3A_530, %max3A_532 : vector<16x128xf32>
      %mul3A_534 = arith.constant 0.699999988 : f32
      %mul3A_535 = vector.broadcast %mul3A_534 : f32 to vector<16x128xf32>
      %mul3A_536 = arith.mulf %mul3A_535, %max3A_533 : vector<16x128xf32>
      %gt3A_537 = arith.cmpf ogt, %mul3A_527, %mul3A_536 : vector<16x128xf32>
      %add3A_538 = arith.constant 0 : i32
      %add3A_539 = arith.addi %mul3A_210, %add3A_538 : i32
      %gt3A_540 = vector.broadcast %add3A_539 : i32 to vector<16x128xi32>
      %gt3A_541 = arith.cmpi sgt, %add3A_128, %gt3A_540 : vector<16x128xi32>
      %and3A_542 = arith.andi %gt3A_537, %gt3A_541 : vector<16x128xi1>
      %and3A_543 = vector.broadcast %gt3A_338 : i1 to vector<16x128xi1>
      %and3A_544 = arith.andi %and3A_542, %and3A_543 : vector<16x128xi1>
      %jit3A_545 = arith.constant 0.000000e+00 : f32
      %broadcast_in_dim3A_546 = vector.broadcast %jit3A_545 : f32 to vector<16x128xf32>
      %select_n3A_547 = arith.select %and3A_544, %broadcast_in_dim3A_546, %scan3A_207 : vector<16x128xi1>, vector<16x128xf32>
      %max3A_548 = vector.broadcast %get3A_246 : f32 to vector<16x128xf32>
      %max3A_549 = arith.maximumf %min3A, %max3A_548 : vector<16x128xf32>
      %max3A_550 = vector.broadcast %get3A_252 : f32 to vector<16x128xf32>
      %max3A_551 = arith.maximumf %min3A_49, %max3A_550 : vector<16x128xf32>
      %min3A_552 = vector.broadcast %get3A_258 : f32 to vector<16x128xf32>
      %min3A_553 = arith.minimumf %max3A, %min3A_552 : vector<16x128xf32>
      %min3A_554 = vector.broadcast %get3A_264 : f32 to vector<16x128xf32>
      %min3A_555 = arith.minimumf %max3A_50, %min3A_554 : vector<16x128xf32>
      %sub3A_556 = arith.subf %min3A_553, %max3A_549 : vector<16x128xf32>
      %max3A_557 = arith.constant 0.000000e+00 : f32
      %max3A_558 = vector.broadcast %max3A_557 : f32 to vector<16x128xf32>
      %max3A_559 = arith.maximumf %sub3A_556, %max3A_558 : vector<16x128xf32>
      %sub3A_560 = arith.subf %min3A_555, %max3A_551 : vector<16x128xf32>
      %max3A_561 = arith.constant 0.000000e+00 : f32
      %max3A_562 = vector.broadcast %max3A_561 : f32 to vector<16x128xf32>
      %max3A_563 = arith.maximumf %sub3A_560, %max3A_562 : vector<16x128xf32>
      %mul3A_564 = arith.mulf %max3A_559, %max3A_563 : vector<16x128xf32>
      %add3A_565 = vector.broadcast %get3A_270 : f32 to vector<16x128xf32>
      %add3A_566 = arith.addf %mul3A_58, %add3A_565 : vector<16x128xf32>
      %sub3A_567 = arith.subf %add3A_566, %mul3A_564 : vector<16x128xf32>
      %max3A_568 = arith.constant 9.99999997E-7 : f32
      %max3A_569 = vector.broadcast %max3A_568 : f32 to vector<16x128xf32>
      %max3A_570 = arith.maximumf %sub3A_567, %max3A_569 : vector<16x128xf32>
      %mul3A_571 = arith.constant 0.699999988 : f32
      %mul3A_572 = vector.broadcast %mul3A_571 : f32 to vector<16x128xf32>
      %mul3A_573 = arith.mulf %mul3A_572, %max3A_570 : vector<16x128xf32>
      %gt3A_574 = arith.cmpf ogt, %mul3A_564, %mul3A_573 : vector<16x128xf32>
      %add3A_575 = arith.constant 1 : i32
      %add3A_576 = arith.addi %mul3A_210, %add3A_575 : i32
      %gt3A_577 = vector.broadcast %add3A_576 : i32 to vector<16x128xi32>
      %gt3A_578 = arith.cmpi sgt, %add3A_128, %gt3A_577 : vector<16x128xi32>
      %and3A_579 = arith.andi %gt3A_574, %gt3A_578 : vector<16x128xi1>
      %and3A_580 = vector.broadcast %and3A_400 : i1 to vector<16x128xi1>
      %and3A_581 = arith.andi %and3A_579, %and3A_580 : vector<16x128xi1>
      %jit3A_582 = arith.constant 0.000000e+00 : f32
      %broadcast_in_dim3A_583 = vector.broadcast %jit3A_582 : f32 to vector<16x128xf32>
      %select_n3A_584 = arith.select %and3A_581, %broadcast_in_dim3A_583, %select_n3A_547 : vector<16x128xi1>, vector<16x128xf32>
      %max3A_585 = vector.broadcast %get3A_276 : f32 to vector<16x128xf32>
      %max3A_586 = arith.maximumf %min3A, %max3A_585 : vector<16x128xf32>
      %max3A_587 = vector.broadcast %get3A_282 : f32 to vector<16x128xf32>
      %max3A_588 = arith.maximumf %min3A_49, %max3A_587 : vector<16x128xf32>
      %min3A_589 = vector.broadcast %get3A_288 : f32 to vector<16x128xf32>
      %min3A_590 = arith.minimumf %max3A, %min3A_589 : vector<16x128xf32>
      %min3A_591 = vector.broadcast %get3A_294 : f32 to vector<16x128xf32>
      %min3A_592 = arith.minimumf %max3A_50, %min3A_591 : vector<16x128xf32>
      %sub3A_593 = arith.subf %min3A_590, %max3A_586 : vector<16x128xf32>
      %max3A_594 = arith.constant 0.000000e+00 : f32
      %max3A_595 = vector.broadcast %max3A_594 : f32 to vector<16x128xf32>
      %max3A_596 = arith.maximumf %sub3A_593, %max3A_595 : vector<16x128xf32>
      %sub3A_597 = arith.subf %min3A_592, %max3A_588 : vector<16x128xf32>
      %max3A_598 = arith.constant 0.000000e+00 : f32
      %max3A_599 = vector.broadcast %max3A_598 : f32 to vector<16x128xf32>
      %max3A_600 = arith.maximumf %sub3A_597, %max3A_599 : vector<16x128xf32>
      %mul3A_601 = arith.mulf %max3A_596, %max3A_600 : vector<16x128xf32>
      %add3A_602 = vector.broadcast %get3A_300 : f32 to vector<16x128xf32>
      %add3A_603 = arith.addf %mul3A_58, %add3A_602 : vector<16x128xf32>
      %sub3A_604 = arith.subf %add3A_603, %mul3A_601 : vector<16x128xf32>
      %max3A_605 = arith.constant 9.99999997E-7 : f32
      %max3A_606 = vector.broadcast %max3A_605 : f32 to vector<16x128xf32>
      %max3A_607 = arith.maximumf %sub3A_604, %max3A_606 : vector<16x128xf32>
      %mul3A_608 = arith.constant 0.699999988 : f32
      %mul3A_609 = vector.broadcast %mul3A_608 : f32 to vector<16x128xf32>
      %mul3A_610 = arith.mulf %mul3A_609, %max3A_607 : vector<16x128xf32>
      %gt3A_611 = arith.cmpf ogt, %mul3A_601, %mul3A_610 : vector<16x128xf32>
      %add3A_612 = arith.constant 2 : i32
      %add3A_613 = arith.addi %mul3A_210, %add3A_612 : i32
      %gt3A_614 = vector.broadcast %add3A_613 : i32 to vector<16x128xi32>
      %gt3A_615 = arith.cmpi sgt, %add3A_128, %gt3A_614 : vector<16x128xi32>
      %and3A_616 = arith.andi %gt3A_611, %gt3A_615 : vector<16x128xi1>
      %and3A_617 = vector.broadcast %and3A_444 : i1 to vector<16x128xi1>
      %and3A_618 = arith.andi %and3A_616, %and3A_617 : vector<16x128xi1>
      %jit3A_619 = arith.constant 0.000000e+00 : f32
      %broadcast_in_dim3A_620 = vector.broadcast %jit3A_619 : f32 to vector<16x128xf32>
      %select_n3A_621 = arith.select %and3A_618, %broadcast_in_dim3A_620, %select_n3A_584 : vector<16x128xi1>, vector<16x128xf32>
      %max3A_622 = vector.broadcast %get3A_306 : f32 to vector<16x128xf32>
      %max3A_623 = arith.maximumf %min3A, %max3A_622 : vector<16x128xf32>
      %max3A_624 = vector.broadcast %get3A_312 : f32 to vector<16x128xf32>
      %max3A_625 = arith.maximumf %min3A_49, %max3A_624 : vector<16x128xf32>
      %min3A_626 = vector.broadcast %get3A_318 : f32 to vector<16x128xf32>
      %min3A_627 = arith.minimumf %max3A, %min3A_626 : vector<16x128xf32>
      %min3A_628 = vector.broadcast %get3A_324 : f32 to vector<16x128xf32>
      %min3A_629 = arith.minimumf %max3A_50, %min3A_628 : vector<16x128xf32>
      %sub3A_630 = arith.subf %min3A_627, %max3A_623 : vector<16x128xf32>
      %max3A_631 = arith.constant 0.000000e+00 : f32
      %max3A_632 = vector.broadcast %max3A_631 : f32 to vector<16x128xf32>
      %max3A_633 = arith.maximumf %sub3A_630, %max3A_632 : vector<16x128xf32>
      %sub3A_634 = arith.subf %min3A_629, %max3A_625 : vector<16x128xf32>
      %max3A_635 = arith.constant 0.000000e+00 : f32
      %max3A_636 = vector.broadcast %max3A_635 : f32 to vector<16x128xf32>
      %max3A_637 = arith.maximumf %sub3A_634, %max3A_636 : vector<16x128xf32>
      %mul3A_638 = arith.mulf %max3A_633, %max3A_637 : vector<16x128xf32>
      %add3A_639 = vector.broadcast %get3A_330 : f32 to vector<16x128xf32>
      %add3A_640 = arith.addf %mul3A_58, %add3A_639 : vector<16x128xf32>
      %sub3A_641 = arith.subf %add3A_640, %mul3A_638 : vector<16x128xf32>
      %max3A_642 = arith.constant 9.99999997E-7 : f32
      %max3A_643 = vector.broadcast %max3A_642 : f32 to vector<16x128xf32>
      %max3A_644 = arith.maximumf %sub3A_641, %max3A_643 : vector<16x128xf32>
      %mul3A_645 = arith.constant 0.699999988 : f32
      %mul3A_646 = vector.broadcast %mul3A_645 : f32 to vector<16x128xf32>
      %mul3A_647 = arith.mulf %mul3A_646, %max3A_644 : vector<16x128xf32>
      %gt3A_648 = arith.cmpf ogt, %mul3A_638, %mul3A_647 : vector<16x128xf32>
      %add3A_649 = arith.constant 3 : i32
      %add3A_650 = arith.addi %mul3A_210, %add3A_649 : i32
      %gt3A_651 = vector.broadcast %add3A_650 : i32 to vector<16x128xi32>
      %gt3A_652 = arith.cmpi sgt, %add3A_128, %gt3A_651 : vector<16x128xi32>
      %and3A_653 = arith.andi %gt3A_648, %gt3A_652 : vector<16x128xi1>
      %and3A_654 = vector.broadcast %and3A_510 : i1 to vector<16x128xi1>
      %and3A_655 = arith.andi %and3A_653, %and3A_654 : vector<16x128xi1>
      %jit3A_656 = arith.constant 0.000000e+00 : f32
      %broadcast_in_dim3A_657 = vector.broadcast %jit3A_656 : f32 to vector<16x128xf32>
      %select_n3A_658 = arith.select %and3A_655, %broadcast_in_dim3A_657, %select_n3A_621 : vector<16x128xi1>, vector<16x128xf32>
      %add3A_659 = arith.constant 0 : i32
      %add3A_660 = arith.addi %mul3A_210, %add3A_659 : i32
      %get3A_661 = arith.constant 1 : index
      %get3A_662 = arith.constant 0 : index
      %get3A_663 = arith.index_cast %add3A_660 : i32 to index
      %get3A_664 = memref.load %arg0[%get3A_661, %get3A_662, %get3A_663] : memref<2x5x2000xf32, #tpu.memory_space<smem>>
      %add3A_665 = arith.constant 0 : i32
      %add3A_666 = arith.addi %mul3A_210, %add3A_665 : i32
      %get3A_667 = arith.constant 1 : index
      %get3A_668 = arith.constant 1 : index
      %get3A_669 = arith.index_cast %add3A_666 : i32 to index
      %get3A_670 = memref.load %arg0[%get3A_667, %get3A_668, %get3A_669] : memref<2x5x2000xf32, #tpu.memory_space<smem>>
      %add3A_671 = arith.constant 0 : i32
      %add3A_672 = arith.addi %mul3A_210, %add3A_671 : i32
      %get3A_673 = arith.constant 1 : index
      %get3A_674 = arith.constant 2 : index
      %get3A_675 = arith.index_cast %add3A_672 : i32 to index
      %get3A_676 = memref.load %arg0[%get3A_673, %get3A_674, %get3A_675] : memref<2x5x2000xf32, #tpu.memory_space<smem>>
      %add3A_677 = arith.constant 0 : i32
      %add3A_678 = arith.addi %mul3A_210, %add3A_677 : i32
      %get3A_679 = arith.constant 1 : index
      %get3A_680 = arith.constant 3 : index
      %get3A_681 = arith.index_cast %add3A_678 : i32 to index
      %get3A_682 = memref.load %arg0[%get3A_679, %get3A_680, %get3A_681] : memref<2x5x2000xf32, #tpu.memory_space<smem>>
      %add3A_683 = arith.constant 0 : i32
      %add3A_684 = arith.addi %mul3A_210, %add3A_683 : i32
      %get3A_685 = arith.constant 1 : index
      %get3A_686 = arith.constant 4 : index
      %get3A_687 = arith.index_cast %add3A_684 : i32 to index
      %get3A_688 = memref.load %arg0[%get3A_685, %get3A_686, %get3A_687] : memref<2x5x2000xf32, #tpu.memory_space<smem>>
      %add3A_689 = arith.constant 1 : i32
      %add3A_690 = arith.addi %mul3A_210, %add3A_689 : i32
      %get3A_691 = arith.constant 1 : index
      %get3A_692 = arith.constant 0 : index
      %get3A_693 = arith.index_cast %add3A_690 : i32 to index
      %get3A_694 = memref.load %arg0[%get3A_691, %get3A_692, %get3A_693] : memref<2x5x2000xf32, #tpu.memory_space<smem>>
      %add3A_695 = arith.constant 1 : i32
      %add3A_696 = arith.addi %mul3A_210, %add3A_695 : i32
      %get3A_697 = arith.constant 1 : index
      %get3A_698 = arith.constant 1 : index
      %get3A_699 = arith.index_cast %add3A_696 : i32 to index
      %get3A_700 = memref.load %arg0[%get3A_697, %get3A_698, %get3A_699] : memref<2x5x2000xf32, #tpu.memory_space<smem>>
      %add3A_701 = arith.constant 1 : i32
      %add3A_702 = arith.addi %mul3A_210, %add3A_701 : i32
      %get3A_703 = arith.constant 1 : index
      %get3A_704 = arith.constant 2 : index
      %get3A_705 = arith.index_cast %add3A_702 : i32 to index
      %get3A_706 = memref.load %arg0[%get3A_703, %get3A_704, %get3A_705] : memref<2x5x2000xf32, #tpu.memory_space<smem>>
      %add3A_707 = arith.constant 1 : i32
      %add3A_708 = arith.addi %mul3A_210, %add3A_707 : i32
      %get3A_709 = arith.constant 1 : index
      %get3A_710 = arith.constant 3 : index
      %get3A_711 = arith.index_cast %add3A_708 : i32 to index
      %get3A_712 = memref.load %arg0[%get3A_709, %get3A_710, %get3A_711] : memref<2x5x2000xf32, #tpu.memory_space<smem>>
      %add3A_713 = arith.constant 1 : i32
      %add3A_714 = arith.addi %mul3A_210, %add3A_713 : i32
      %get3A_715 = arith.constant 1 : index
      %get3A_716 = arith.constant 4 : index
      %get3A_717 = arith.index_cast %add3A_714 : i32 to index
      %get3A_718 = memref.load %arg0[%get3A_715, %get3A_716, %get3A_717] : memref<2x5x2000xf32, #tpu.memory_space<smem>>
      %add3A_719 = arith.constant 2 : i32
      %add3A_720 = arith.addi %mul3A_210, %add3A_719 : i32
      %get3A_721 = arith.constant 1 : index
      %get3A_722 = arith.constant 0 : index
      %get3A_723 = arith.index_cast %add3A_720 : i32 to index
      %get3A_724 = memref.load %arg0[%get3A_721, %get3A_722, %get3A_723] : memref<2x5x2000xf32, #tpu.memory_space<smem>>
      %add3A_725 = arith.constant 2 : i32
      %add3A_726 = arith.addi %mul3A_210, %add3A_725 : i32
      %get3A_727 = arith.constant 1 : index
      %get3A_728 = arith.constant 1 : index
      %get3A_729 = arith.index_cast %add3A_726 : i32 to index
      %get3A_730 = memref.load %arg0[%get3A_727, %get3A_728, %get3A_729] : memref<2x5x2000xf32, #tpu.memory_space<smem>>
      %add3A_731 = arith.constant 2 : i32
      %add3A_732 = arith.addi %mul3A_210, %add3A_731 : i32
      %get3A_733 = arith.constant 1 : index
      %get3A_734 = arith.constant 2 : index
      %get3A_735 = arith.index_cast %add3A_732 : i32 to index
      %get3A_736 = memref.load %arg0[%get3A_733, %get3A_734, %get3A_735] : memref<2x5x2000xf32, #tpu.memory_space<smem>>
      %add3A_737 = arith.constant 2 : i32
      %add3A_738 = arith.addi %mul3A_210, %add3A_737 : i32
      %get3A_739 = arith.constant 1 : index
      %get3A_740 = arith.constant 3 : index
      %get3A_741 = arith.index_cast %add3A_738 : i32 to index
      %get3A_742 = memref.load %arg0[%get3A_739, %get3A_740, %get3A_741] : memref<2x5x2000xf32, #tpu.memory_space<smem>>
      %add3A_743 = arith.constant 2 : i32
      %add3A_744 = arith.addi %mul3A_210, %add3A_743 : i32
      %get3A_745 = arith.constant 1 : index
      %get3A_746 = arith.constant 4 : index
      %get3A_747 = arith.index_cast %add3A_744 : i32 to index
      %get3A_748 = memref.load %arg0[%get3A_745, %get3A_746, %get3A_747] : memref<2x5x2000xf32, #tpu.memory_space<smem>>
      %add3A_749 = arith.constant 3 : i32
      %add3A_750 = arith.addi %mul3A_210, %add3A_749 : i32
      %get3A_751 = arith.constant 1 : index
      %get3A_752 = arith.constant 0 : index
      %get3A_753 = arith.index_cast %add3A_750 : i32 to index
      %get3A_754 = memref.load %arg0[%get3A_751, %get3A_752, %get3A_753] : memref<2x5x2000xf32, #tpu.memory_space<smem>>
      %add3A_755 = arith.constant 3 : i32
      %add3A_756 = arith.addi %mul3A_210, %add3A_755 : i32
      %get3A_757 = arith.constant 1 : index
      %get3A_758 = arith.constant 1 : index
      %get3A_759 = arith.index_cast %add3A_756 : i32 to index
      %get3A_760 = memref.load %arg0[%get3A_757, %get3A_758, %get3A_759] : memref<2x5x2000xf32, #tpu.memory_space<smem>>
      %add3A_761 = arith.constant 3 : i32
      %add3A_762 = arith.addi %mul3A_210, %add3A_761 : i32
      %get3A_763 = arith.constant 1 : index
      %get3A_764 = arith.constant 2 : index
      %get3A_765 = arith.index_cast %add3A_762 : i32 to index
      %get3A_766 = memref.load %arg0[%get3A_763, %get3A_764, %get3A_765] : memref<2x5x2000xf32, #tpu.memory_space<smem>>
      %add3A_767 = arith.constant 3 : i32
      %add3A_768 = arith.addi %mul3A_210, %add3A_767 : i32
      %get3A_769 = arith.constant 1 : index
      %get3A_770 = arith.constant 3 : index
      %get3A_771 = arith.index_cast %add3A_768 : i32 to index
      %get3A_772 = memref.load %arg0[%get3A_769, %get3A_770, %get3A_771] : memref<2x5x2000xf32, #tpu.memory_space<smem>>
      %add3A_773 = arith.constant 3 : i32
      %add3A_774 = arith.addi %mul3A_210, %add3A_773 : i32
      %get3A_775 = arith.constant 1 : index
      %get3A_776 = arith.constant 4 : index
      %get3A_777 = arith.index_cast %add3A_774 : i32 to index
      %get3A_778 = memref.load %arg0[%get3A_775, %get3A_776, %get3A_777] : memref<2x5x2000xf32, #tpu.memory_space<smem>>
      %add3A_779 = arith.constant 0 : i32
      %add3A_780 = arith.addi %mul3A_210, %add3A_779 : i32
      %eq3A_781 = vector.broadcast %add3A_780 : i32 to vector<16x128xi32>
      %eq3A_782 = arith.cmpi eq, %add3A_128, %eq3A_781 : vector<16x128xi32>
      %jit3A_783 = arith.constant 0.000000e+00 : f32
      %broadcast_in_dim3A_784 = vector.broadcast %jit3A_783 : f32 to vector<16x128xf32>
      %select_n3A_785 = arith.select %eq3A_782, %scan3A_208, %broadcast_in_dim3A_784 : vector<16x128xi1>, vector<16x128xf32>
      %reduce_sum3A_786 = vector.shape_cast %select_n3A_785 : vector<16x128xf32> to vector<1x16x128xf32>
      %reduce_sum3A_787 = arith.constant dense<0.000000e+00> : vector<1xf32>
      %reduce_sum3A_788 = vector.multi_reduction <add>, %reduce_sum3A_786, %reduce_sum3A_787 [1, 2] : vector<1x16x128xf32> to vector<1xf32>
      %reduce_sum3A_789 = vector.shape_cast %reduce_sum3A_788 : vector<1xf32> to vector<1x1x1xf32>
      %reduce_sum3A_790 = vector.extract %reduce_sum3A_789[0, 0, 0] : f32 from vector<1x1x1xf32>
      %gt3A_791 = arith.constant 0.000000e+00 : f32
      %gt3A_792 = arith.cmpf ogt, %reduce_sum3A_790, %gt3A_791 : f32
      %add3A_793 = arith.constant 1 : i32
      %add3A_794 = arith.addi %mul3A_210, %add3A_793 : i32
      %eq3A_795 = vector.broadcast %add3A_794 : i32 to vector<16x128xi32>
      %eq3A_796 = arith.cmpi eq, %add3A_128, %eq3A_795 : vector<16x128xi32>
      %jit3A_797 = arith.constant 0.000000e+00 : f32
      %broadcast_in_dim3A_798 = vector.broadcast %jit3A_797 : f32 to vector<16x128xf32>
      %select_n3A_799 = arith.select %eq3A_796, %scan3A_208, %broadcast_in_dim3A_798 : vector<16x128xi1>, vector<16x128xf32>
      %reduce_sum3A_800 = vector.shape_cast %select_n3A_799 : vector<16x128xf32> to vector<1x16x128xf32>
      %reduce_sum3A_801 = arith.constant dense<0.000000e+00> : vector<1xf32>
      %reduce_sum3A_802 = vector.multi_reduction <add>, %reduce_sum3A_800, %reduce_sum3A_801 [1, 2] : vector<1x16x128xf32> to vector<1xf32>
      %reduce_sum3A_803 = vector.shape_cast %reduce_sum3A_802 : vector<1xf32> to vector<1x1x1xf32>
      %reduce_sum3A_804 = vector.extract %reduce_sum3A_803[0, 0, 0] : f32 from vector<1x1x1xf32>
      %gt3A_805 = arith.constant 0.000000e+00 : f32
      %gt3A_806 = arith.cmpf ogt, %reduce_sum3A_804, %gt3A_805 : f32
      %add3A_807 = arith.constant 2 : i32
      %add3A_808 = arith.addi %mul3A_210, %add3A_807 : i32
      %eq3A_809 = vector.broadcast %add3A_808 : i32 to vector<16x128xi32>
      %eq3A_810 = arith.cmpi eq, %add3A_128, %eq3A_809 : vector<16x128xi32>
      %jit3A_811 = arith.constant 0.000000e+00 : f32
      %broadcast_in_dim3A_812 = vector.broadcast %jit3A_811 : f32 to vector<16x128xf32>
      %select_n3A_813 = arith.select %eq3A_810, %scan3A_208, %broadcast_in_dim3A_812 : vector<16x128xi1>, vector<16x128xf32>
      %reduce_sum3A_814 = vector.shape_cast %select_n3A_813 : vector<16x128xf32> to vector<1x16x128xf32>
      %reduce_sum3A_815 = arith.constant dense<0.000000e+00> : vector<1xf32>
      %reduce_sum3A_816 = vector.multi_reduction <add>, %reduce_sum3A_814, %reduce_sum3A_815 [1, 2] : vector<1x16x128xf32> to vector<1xf32>
      %reduce_sum3A_817 = vector.shape_cast %reduce_sum3A_816 : vector<1xf32> to vector<1x1x1xf32>
      %reduce_sum3A_818 = vector.extract %reduce_sum3A_817[0, 0, 0] : f32 from vector<1x1x1xf32>
      %gt3A_819 = arith.constant 0.000000e+00 : f32
      %gt3A_820 = arith.cmpf ogt, %reduce_sum3A_818, %gt3A_819 : f32
      %add3A_821 = arith.constant 3 : i32
      %add3A_822 = arith.addi %mul3A_210, %add3A_821 : i32
      %eq3A_823 = vector.broadcast %add3A_822 : i32 to vector<16x128xi32>
      %eq3A_824 = arith.cmpi eq, %add3A_128, %eq3A_823 : vector<16x128xi32>
      %jit3A_825 = arith.constant 0.000000e+00 : f32
      %broadcast_in_dim3A_826 = vector.broadcast %jit3A_825 : f32 to vector<16x128xf32>
      %select_n3A_827 = arith.select %eq3A_824, %scan3A_208, %broadcast_in_dim3A_826 : vector<16x128xi1>, vector<16x128xf32>
      %reduce_sum3A_828 = vector.shape_cast %select_n3A_827 : vector<16x128xf32> to vector<1x16x128xf32>
      %reduce_sum3A_829 = arith.constant dense<0.000000e+00> : vector<1xf32>
      %reduce_sum3A_830 = vector.multi_reduction <add>, %reduce_sum3A_828, %reduce_sum3A_829 [1, 2] : vector<1x16x128xf32> to vector<1xf32>
      %reduce_sum3A_831 = vector.shape_cast %reduce_sum3A_830 : vector<1xf32> to vector<1x1x1xf32>
      %reduce_sum3A_832 = vector.extract %reduce_sum3A_831[0, 0, 0] : f32 from vector<1x1x1xf32>
      %gt3A_833 = arith.constant 0.000000e+00 : f32
      %gt3A_834 = arith.cmpf ogt, %reduce_sum3A_832, %gt3A_833 : f32
      %max3A_835 = arith.maximumf %get3A_664, %get3A_694 : f32
      %max3A_836 = arith.maximumf %get3A_670, %get3A_700 : f32
      %min3A_837 = arith.minimumf %get3A_676, %get3A_706 : f32
      %min3A_838 = arith.minimumf %get3A_682, %get3A_712 : f32
      %sub3A_839 = arith.subf %min3A_837, %max3A_835 : f32
      %max3A_840 = arith.constant 0.000000e+00 : f32
      %max3A_841 = arith.maximumf %sub3A_839, %max3A_840 : f32
      %sub3A_842 = arith.subf %min3A_838, %max3A_836 : f32
      %max3A_843 = arith.constant 0.000000e+00 : f32
      %max3A_844 = arith.maximumf %sub3A_842, %max3A_843 : f32
      %mul3A_845 = arith.mulf %max3A_841, %max3A_844 : f32
      %add3A_846 = arith.addf %get3A_688, %get3A_718 : f32
      %sub3A_847 = arith.subf %add3A_846, %mul3A_845 : f32
      %max3A_848 = arith.constant 9.99999997E-7 : f32
      %max3A_849 = arith.maximumf %sub3A_847, %max3A_848 : f32
      %mul3A_850 = arith.constant 0.699999988 : f32
      %mul3A_851 = arith.mulf %mul3A_850, %max3A_849 : f32
      %gt3A_852 = arith.cmpf ogt, %mul3A_845, %mul3A_851 : f32
      %and3A_853 = arith.andi %gt3A_792, %gt3A_852 : i1
      %not3A_854 = arith.constant true
      %not3A_855 = arith.xori %and3A_853, %not3A_854 : i1
      %and3A_856 = arith.andi %gt3A_806, %not3A_855 : i1
      %max3A_857 = arith.maximumf %get3A_664, %get3A_724 : f32
      %max3A_858 = arith.maximumf %get3A_670, %get3A_730 : f32
      %min3A_859 = arith.minimumf %get3A_676, %get3A_736 : f32
      %min3A_860 = arith.minimumf %get3A_682, %get3A_742 : f32
      %sub3A_861 = arith.subf %min3A_859, %max3A_857 : f32
      %max3A_862 = arith.constant 0.000000e+00 : f32
      %max3A_863 = arith.maximumf %sub3A_861, %max3A_862 : f32
      %sub3A_864 = arith.subf %min3A_860, %max3A_858 : f32
      %max3A_865 = arith.constant 0.000000e+00 : f32
      %max3A_866 = arith.maximumf %sub3A_864, %max3A_865 : f32
      %mul3A_867 = arith.mulf %max3A_863, %max3A_866 : f32
      %add3A_868 = arith.addf %get3A_688, %get3A_748 : f32
      %sub3A_869 = arith.subf %add3A_868, %mul3A_867 : f32
      %max3A_870 = arith.constant 9.99999997E-7 : f32
      %max3A_871 = arith.maximumf %sub3A_869, %max3A_870 : f32
      %mul3A_872 = arith.constant 0.699999988 : f32
      %mul3A_873 = arith.mulf %mul3A_872, %max3A_871 : f32
      %gt3A_874 = arith.cmpf ogt, %mul3A_867, %mul3A_873 : f32
      %and3A_875 = arith.andi %gt3A_792, %gt3A_874 : i1
      %not3A_876 = arith.constant true
      %not3A_877 = arith.xori %and3A_875, %not3A_876 : i1
      %and3A_878 = arith.andi %gt3A_820, %not3A_877 : i1
      %max3A_879 = arith.maximumf %get3A_694, %get3A_724 : f32
      %max3A_880 = arith.maximumf %get3A_700, %get3A_730 : f32
      %min3A_881 = arith.minimumf %get3A_706, %get3A_736 : f32
      %min3A_882 = arith.minimumf %get3A_712, %get3A_742 : f32
      %sub3A_883 = arith.subf %min3A_881, %max3A_879 : f32
      %max3A_884 = arith.constant 0.000000e+00 : f32
      %max3A_885 = arith.maximumf %sub3A_883, %max3A_884 : f32
      %sub3A_886 = arith.subf %min3A_882, %max3A_880 : f32
      %max3A_887 = arith.constant 0.000000e+00 : f32
      %max3A_888 = arith.maximumf %sub3A_886, %max3A_887 : f32
      %mul3A_889 = arith.mulf %max3A_885, %max3A_888 : f32
      %add3A_890 = arith.addf %get3A_718, %get3A_748 : f32
      %sub3A_891 = arith.subf %add3A_890, %mul3A_889 : f32
      %max3A_892 = arith.constant 9.99999997E-7 : f32
      %max3A_893 = arith.maximumf %sub3A_891, %max3A_892 : f32
      %mul3A_894 = arith.constant 0.699999988 : f32
      %mul3A_895 = arith.mulf %mul3A_894, %max3A_893 : f32
      %gt3A_896 = arith.cmpf ogt, %mul3A_889, %mul3A_895 : f32
      %and3A_897 = arith.andi %and3A_856, %gt3A_896 : i1
      %not3A_898 = arith.constant true
      %not3A_899 = arith.xori %and3A_897, %not3A_898 : i1
      %and3A_900 = arith.andi %and3A_878, %not3A_899 : i1
      %max3A_901 = arith.maximumf %get3A_664, %get3A_754 : f32
      %max3A_902 = arith.maximumf %get3A_670, %get3A_760 : f32
      %min3A_903 = arith.minimumf %get3A_676, %get3A_766 : f32
      %min3A_904 = arith.minimumf %get3A_682, %get3A_772 : f32
      %sub3A_905 = arith.subf %min3A_903, %max3A_901 : f32
      %max3A_906 = arith.constant 0.000000e+00 : f32
      %max3A_907 = arith.maximumf %sub3A_905, %max3A_906 : f32
      %sub3A_908 = arith.subf %min3A_904, %max3A_902 : f32
      %max3A_909 = arith.constant 0.000000e+00 : f32
      %max3A_910 = arith.maximumf %sub3A_908, %max3A_909 : f32
      %mul3A_911 = arith.mulf %max3A_907, %max3A_910 : f32
      %add3A_912 = arith.addf %get3A_688, %get3A_778 : f32
      %sub3A_913 = arith.subf %add3A_912, %mul3A_911 : f32
      %max3A_914 = arith.constant 9.99999997E-7 : f32
      %max3A_915 = arith.maximumf %sub3A_913, %max3A_914 : f32
      %mul3A_916 = arith.constant 0.699999988 : f32
      %mul3A_917 = arith.mulf %mul3A_916, %max3A_915 : f32
      %gt3A_918 = arith.cmpf ogt, %mul3A_911, %mul3A_917 : f32
      %and3A_919 = arith.andi %gt3A_792, %gt3A_918 : i1
      %not3A_920 = arith.constant true
      %not3A_921 = arith.xori %and3A_919, %not3A_920 : i1
      %and3A_922 = arith.andi %gt3A_834, %not3A_921 : i1
      %max3A_923 = arith.maximumf %get3A_694, %get3A_754 : f32
      %max3A_924 = arith.maximumf %get3A_700, %get3A_760 : f32
      %min3A_925 = arith.minimumf %get3A_706, %get3A_766 : f32
      %min3A_926 = arith.minimumf %get3A_712, %get3A_772 : f32
      %sub3A_927 = arith.subf %min3A_925, %max3A_923 : f32
      %max3A_928 = arith.constant 0.000000e+00 : f32
      %max3A_929 = arith.maximumf %sub3A_927, %max3A_928 : f32
      %sub3A_930 = arith.subf %min3A_926, %max3A_924 : f32
      %max3A_931 = arith.constant 0.000000e+00 : f32
      %max3A_932 = arith.maximumf %sub3A_930, %max3A_931 : f32
      %mul3A_933 = arith.mulf %max3A_929, %max3A_932 : f32
      %add3A_934 = arith.addf %get3A_718, %get3A_778 : f32
      %sub3A_935 = arith.subf %add3A_934, %mul3A_933 : f32
      %max3A_936 = arith.constant 9.99999997E-7 : f32
      %max3A_937 = arith.maximumf %sub3A_935, %max3A_936 : f32
      %mul3A_938 = arith.constant 0.699999988 : f32
      %mul3A_939 = arith.mulf %mul3A_938, %max3A_937 : f32
      %gt3A_940 = arith.cmpf ogt, %mul3A_933, %mul3A_939 : f32
      %and3A_941 = arith.andi %and3A_856, %gt3A_940 : i1
      %not3A_942 = arith.constant true
      %not3A_943 = arith.xori %and3A_941, %not3A_942 : i1
      %and3A_944 = arith.andi %and3A_922, %not3A_943 : i1
      %max3A_945 = arith.maximumf %get3A_724, %get3A_754 : f32
      %max3A_946 = arith.maximumf %get3A_730, %get3A_760 : f32
      %min3A_947 = arith.minimumf %get3A_736, %get3A_766 : f32
      %min3A_948 = arith.minimumf %get3A_742, %get3A_772 : f32
      %sub3A_949 = arith.subf %min3A_947, %max3A_945 : f32
      %max3A_950 = arith.constant 0.000000e+00 : f32
      %max3A_951 = arith.maximumf %sub3A_949, %max3A_950 : f32
      %sub3A_952 = arith.subf %min3A_948, %max3A_946 : f32
      %max3A_953 = arith.constant 0.000000e+00 : f32
      %max3A_954 = arith.maximumf %sub3A_952, %max3A_953 : f32
      %mul3A_955 = arith.mulf %max3A_951, %max3A_954 : f32
      %add3A_956 = arith.addf %get3A_748, %get3A_778 : f32
      %sub3A_957 = arith.subf %add3A_956, %mul3A_955 : f32
      %max3A_958 = arith.constant 9.99999997E-7 : f32
      %max3A_959 = arith.maximumf %sub3A_957, %max3A_958 : f32
      %mul3A_960 = arith.constant 0.699999988 : f32
      %mul3A_961 = arith.mulf %mul3A_960, %max3A_959 : f32
      %gt3A_962 = arith.cmpf ogt, %mul3A_955, %mul3A_961 : f32
      %and3A_963 = arith.andi %and3A_900, %gt3A_962 : i1
      %not3A_964 = arith.constant true
      %not3A_965 = arith.xori %and3A_963, %not3A_964 : i1
      %and3A_966 = arith.andi %and3A_944, %not3A_965 : i1
      %max3A_967 = vector.broadcast %get3A_664 : f32 to vector<16x128xf32>
      %max3A_968 = arith.maximumf %min3A_111, %max3A_967 : vector<16x128xf32>
      %max3A_969 = vector.broadcast %get3A_670 : f32 to vector<16x128xf32>
      %max3A_970 = arith.maximumf %min3A_113, %max3A_969 : vector<16x128xf32>
      %min3A_971 = vector.broadcast %get3A_676 : f32 to vector<16x128xf32>
      %min3A_972 = arith.minimumf %max3A_112, %min3A_971 : vector<16x128xf32>
      %min3A_973 = vector.broadcast %get3A_682 : f32 to vector<16x128xf32>
      %min3A_974 = arith.minimumf %max3A_114, %min3A_973 : vector<16x128xf32>
      %sub3A_975 = arith.subf %min3A_972, %max3A_968 : vector<16x128xf32>
      %max3A_976 = arith.constant 0.000000e+00 : f32
      %max3A_977 = vector.broadcast %max3A_976 : f32 to vector<16x128xf32>
      %max3A_978 = arith.maximumf %sub3A_975, %max3A_977 : vector<16x128xf32>
      %sub3A_979 = arith.subf %min3A_974, %max3A_970 : vector<16x128xf32>
      %max3A_980 = arith.constant 0.000000e+00 : f32
      %max3A_981 = vector.broadcast %max3A_980 : f32 to vector<16x128xf32>
      %max3A_982 = arith.maximumf %sub3A_979, %max3A_981 : vector<16x128xf32>
      %mul3A_983 = arith.mulf %max3A_978, %max3A_982 : vector<16x128xf32>
      %add3A_984 = vector.broadcast %get3A_688 : f32 to vector<16x128xf32>
      %add3A_985 = arith.addf %mul3A_123, %add3A_984 : vector<16x128xf32>
      %sub3A_986 = arith.subf %add3A_985, %mul3A_983 : vector<16x128xf32>
      %max3A_987 = arith.constant 9.99999997E-7 : f32
      %max3A_988 = vector.broadcast %max3A_987 : f32 to vector<16x128xf32>
      %max3A_989 = arith.maximumf %sub3A_986, %max3A_988 : vector<16x128xf32>
      %mul3A_990 = arith.constant 0.699999988 : f32
      %mul3A_991 = vector.broadcast %mul3A_990 : f32 to vector<16x128xf32>
      %mul3A_992 = arith.mulf %mul3A_991, %max3A_989 : vector<16x128xf32>
      %gt3A_993 = arith.cmpf ogt, %mul3A_983, %mul3A_992 : vector<16x128xf32>
      %add3A_994 = arith.constant 0 : i32
      %add3A_995 = arith.addi %mul3A_210, %add3A_994 : i32
      %gt3A_996 = vector.broadcast %add3A_995 : i32 to vector<16x128xi32>
      %gt3A_997 = arith.cmpi sgt, %add3A_128, %gt3A_996 : vector<16x128xi32>
      %and3A_998 = arith.andi %gt3A_993, %gt3A_997 : vector<16x128xi1>
      %and3A_999 = vector.broadcast %gt3A_792 : i1 to vector<16x128xi1>
      %and3A_1000 = arith.andi %and3A_998, %and3A_999 : vector<16x128xi1>
      %jit3A_1001 = arith.constant 0.000000e+00 : f32
      %broadcast_in_dim3A_1002 = vector.broadcast %jit3A_1001 : f32 to vector<16x128xf32>
      %select_n3A_1003 = arith.select %and3A_1000, %broadcast_in_dim3A_1002, %scan3A_208 : vector<16x128xi1>, vector<16x128xf32>
      %max3A_1004 = vector.broadcast %get3A_694 : f32 to vector<16x128xf32>
      %max3A_1005 = arith.maximumf %min3A_111, %max3A_1004 : vector<16x128xf32>
      %max3A_1006 = vector.broadcast %get3A_700 : f32 to vector<16x128xf32>
      %max3A_1007 = arith.maximumf %min3A_113, %max3A_1006 : vector<16x128xf32>
      %min3A_1008 = vector.broadcast %get3A_706 : f32 to vector<16x128xf32>
      %min3A_1009 = arith.minimumf %max3A_112, %min3A_1008 : vector<16x128xf32>
      %min3A_1010 = vector.broadcast %get3A_712 : f32 to vector<16x128xf32>
      %min3A_1011 = arith.minimumf %max3A_114, %min3A_1010 : vector<16x128xf32>
      %sub3A_1012 = arith.subf %min3A_1009, %max3A_1005 : vector<16x128xf32>
      %max3A_1013 = arith.constant 0.000000e+00 : f32
      %max3A_1014 = vector.broadcast %max3A_1013 : f32 to vector<16x128xf32>
      %max3A_1015 = arith.maximumf %sub3A_1012, %max3A_1014 : vector<16x128xf32>
      %sub3A_1016 = arith.subf %min3A_1011, %max3A_1007 : vector<16x128xf32>
      %max3A_1017 = arith.constant 0.000000e+00 : f32
      %max3A_1018 = vector.broadcast %max3A_1017 : f32 to vector<16x128xf32>
      %max3A_1019 = arith.maximumf %sub3A_1016, %max3A_1018 : vector<16x128xf32>
      %mul3A_1020 = arith.mulf %max3A_1015, %max3A_1019 : vector<16x128xf32>
      %add3A_1021 = vector.broadcast %get3A_718 : f32 to vector<16x128xf32>
      %add3A_1022 = arith.addf %mul3A_123, %add3A_1021 : vector<16x128xf32>
      %sub3A_1023 = arith.subf %add3A_1022, %mul3A_1020 : vector<16x128xf32>
      %max3A_1024 = arith.constant 9.99999997E-7 : f32
      %max3A_1025 = vector.broadcast %max3A_1024 : f32 to vector<16x128xf32>
      %max3A_1026 = arith.maximumf %sub3A_1023, %max3A_1025 : vector<16x128xf32>
      %mul3A_1027 = arith.constant 0.699999988 : f32
      %mul3A_1028 = vector.broadcast %mul3A_1027 : f32 to vector<16x128xf32>
      %mul3A_1029 = arith.mulf %mul3A_1028, %max3A_1026 : vector<16x128xf32>
      %gt3A_1030 = arith.cmpf ogt, %mul3A_1020, %mul3A_1029 : vector<16x128xf32>
      %add3A_1031 = arith.constant 1 : i32
      %add3A_1032 = arith.addi %mul3A_210, %add3A_1031 : i32
      %gt3A_1033 = vector.broadcast %add3A_1032 : i32 to vector<16x128xi32>
      %gt3A_1034 = arith.cmpi sgt, %add3A_128, %gt3A_1033 : vector<16x128xi32>
      %and3A_1035 = arith.andi %gt3A_1030, %gt3A_1034 : vector<16x128xi1>
      %and3A_1036 = vector.broadcast %and3A_856 : i1 to vector<16x128xi1>
      %and3A_1037 = arith.andi %and3A_1035, %and3A_1036 : vector<16x128xi1>
      %jit3A_1038 = arith.constant 0.000000e+00 : f32
      %broadcast_in_dim3A_1039 = vector.broadcast %jit3A_1038 : f32 to vector<16x128xf32>
      %select_n3A_1040 = arith.select %and3A_1037, %broadcast_in_dim3A_1039, %select_n3A_1003 : vector<16x128xi1>, vector<16x128xf32>
      %max3A_1041 = vector.broadcast %get3A_724 : f32 to vector<16x128xf32>
      %max3A_1042 = arith.maximumf %min3A_111, %max3A_1041 : vector<16x128xf32>
      %max3A_1043 = vector.broadcast %get3A_730 : f32 to vector<16x128xf32>
      %max3A_1044 = arith.maximumf %min3A_113, %max3A_1043 : vector<16x128xf32>
      %min3A_1045 = vector.broadcast %get3A_736 : f32 to vector<16x128xf32>
      %min3A_1046 = arith.minimumf %max3A_112, %min3A_1045 : vector<16x128xf32>
      %min3A_1047 = vector.broadcast %get3A_742 : f32 to vector<16x128xf32>
      %min3A_1048 = arith.minimumf %max3A_114, %min3A_1047 : vector<16x128xf32>
      %sub3A_1049 = arith.subf %min3A_1046, %max3A_1042 : vector<16x128xf32>
      %max3A_1050 = arith.constant 0.000000e+00 : f32
      %max3A_1051 = vector.broadcast %max3A_1050 : f32 to vector<16x128xf32>
      %max3A_1052 = arith.maximumf %sub3A_1049, %max3A_1051 : vector<16x128xf32>
      %sub3A_1053 = arith.subf %min3A_1048, %max3A_1044 : vector<16x128xf32>
      %max3A_1054 = arith.constant 0.000000e+00 : f32
      %max3A_1055 = vector.broadcast %max3A_1054 : f32 to vector<16x128xf32>
      %max3A_1056 = arith.maximumf %sub3A_1053, %max3A_1055 : vector<16x128xf32>
      %mul3A_1057 = arith.mulf %max3A_1052, %max3A_1056 : vector<16x128xf32>
      %add3A_1058 = vector.broadcast %get3A_748 : f32 to vector<16x128xf32>
      %add3A_1059 = arith.addf %mul3A_123, %add3A_1058 : vector<16x128xf32>
      %sub3A_1060 = arith.subf %add3A_1059, %mul3A_1057 : vector<16x128xf32>
      %max3A_1061 = arith.constant 9.99999997E-7 : f32
      %max3A_1062 = vector.broadcast %max3A_1061 : f32 to vector<16x128xf32>
      %max3A_1063 = arith.maximumf %sub3A_1060, %max3A_1062 : vector<16x128xf32>
      %mul3A_1064 = arith.constant 0.699999988 : f32
      %mul3A_1065 = vector.broadcast %mul3A_1064 : f32 to vector<16x128xf32>
      %mul3A_1066 = arith.mulf %mul3A_1065, %max3A_1063 : vector<16x128xf32>
      %gt3A_1067 = arith.cmpf ogt, %mul3A_1057, %mul3A_1066 : vector<16x128xf32>
      %add3A_1068 = arith.constant 2 : i32
      %add3A_1069 = arith.addi %mul3A_210, %add3A_1068 : i32
      %gt3A_1070 = vector.broadcast %add3A_1069 : i32 to vector<16x128xi32>
      %gt3A_1071 = arith.cmpi sgt, %add3A_128, %gt3A_1070 : vector<16x128xi32>
      %and3A_1072 = arith.andi %gt3A_1067, %gt3A_1071 : vector<16x128xi1>
      %and3A_1073 = vector.broadcast %and3A_900 : i1 to vector<16x128xi1>
      %and3A_1074 = arith.andi %and3A_1072, %and3A_1073 : vector<16x128xi1>
      %jit3A_1075 = arith.constant 0.000000e+00 : f32
      %broadcast_in_dim3A_1076 = vector.broadcast %jit3A_1075 : f32 to vector<16x128xf32>
      %select_n3A_1077 = arith.select %and3A_1074, %broadcast_in_dim3A_1076, %select_n3A_1040 : vector<16x128xi1>, vector<16x128xf32>
      %max3A_1078 = vector.broadcast %get3A_754 : f32 to vector<16x128xf32>
      %max3A_1079 = arith.maximumf %min3A_111, %max3A_1078 : vector<16x128xf32>
      %max3A_1080 = vector.broadcast %get3A_760 : f32 to vector<16x128xf32>
      %max3A_1081 = arith.maximumf %min3A_113, %max3A_1080 : vector<16x128xf32>
      %min3A_1082 = vector.broadcast %get3A_766 : f32 to vector<16x128xf32>
      %min3A_1083 = arith.minimumf %max3A_112, %min3A_1082 : vector<16x128xf32>
      %min3A_1084 = vector.broadcast %get3A_772 : f32 to vector<16x128xf32>
      %min3A_1085 = arith.minimumf %max3A_114, %min3A_1084 : vector<16x128xf32>
      %sub3A_1086 = arith.subf %min3A_1083, %max3A_1079 : vector<16x128xf32>
      %max3A_1087 = arith.constant 0.000000e+00 : f32
      %max3A_1088 = vector.broadcast %max3A_1087 : f32 to vector<16x128xf32>
      %max3A_1089 = arith.maximumf %sub3A_1086, %max3A_1088 : vector<16x128xf32>
      %sub3A_1090 = arith.subf %min3A_1085, %max3A_1081 : vector<16x128xf32>
      %max3A_1091 = arith.constant 0.000000e+00 : f32
      %max3A_1092 = vector.broadcast %max3A_1091 : f32 to vector<16x128xf32>
      %max3A_1093 = arith.maximumf %sub3A_1090, %max3A_1092 : vector<16x128xf32>
      %mul3A_1094 = arith.mulf %max3A_1089, %max3A_1093 : vector<16x128xf32>
      %add3A_1095 = vector.broadcast %get3A_778 : f32 to vector<16x128xf32>
      %add3A_1096 = arith.addf %mul3A_123, %add3A_1095 : vector<16x128xf32>
      %sub3A_1097 = arith.subf %add3A_1096, %mul3A_1094 : vector<16x128xf32>
      %max3A_1098 = arith.constant 9.99999997E-7 : f32
      %max3A_1099 = vector.broadcast %max3A_1098 : f32 to vector<16x128xf32>
      %max3A_1100 = arith.maximumf %sub3A_1097, %max3A_1099 : vector<16x128xf32>
      %mul3A_1101 = arith.constant 0.699999988 : f32
      %mul3A_1102 = vector.broadcast %mul3A_1101 : f32 to vector<16x128xf32>
      %mul3A_1103 = arith.mulf %mul3A_1102, %max3A_1100 : vector<16x128xf32>
      %gt3A_1104 = arith.cmpf ogt, %mul3A_1094, %mul3A_1103 : vector<16x128xf32>
      %add3A_1105 = arith.constant 3 : i32
      %add3A_1106 = arith.addi %mul3A_210, %add3A_1105 : i32
      %gt3A_1107 = vector.broadcast %add3A_1106 : i32 to vector<16x128xi32>
      %gt3A_1108 = arith.cmpi sgt, %add3A_128, %gt3A_1107 : vector<16x128xi32>
      %and3A_1109 = arith.andi %gt3A_1104, %gt3A_1108 : vector<16x128xi1>
      %and3A_1110 = vector.broadcast %and3A_966 : i1 to vector<16x128xi1>
      %and3A_1111 = arith.andi %and3A_1109, %and3A_1110 : vector<16x128xi1>
      %jit3A_1112 = arith.constant 0.000000e+00 : f32
      %broadcast_in_dim3A_1113 = vector.broadcast %jit3A_1112 : f32 to vector<16x128xf32>
      %select_n3A_1114 = arith.select %and3A_1111, %broadcast_in_dim3A_1113, %select_n3A_1077 : vector<16x128xi1>, vector<16x128xf32>
      scf.yield %select_n3A_658, %select_n3A_1114 : vector<16x128xf32>, vector<16x128xf32>
    }
    %scan3A_136 = arith.constant 500 : i32
    %swap3A = arith.constant 0 : index
    %swap3A_137 = arith.constant 0 : index
    %swap3A_138 = arith.constant 0 : index
    %swap3A_139 = arith.constant 0 : index
    %swap3A_140 = vector.load %arg2[%swap3A, %swap3A_137, %swap3A_138, %swap3A_139] : memref<2x5x16x128xf32, #tpu.memory_space<vmem>>, vector<1x1x16x128xf32>
    %swap3A_141 = vector.shape_cast %swap3A_140 : vector<1x1x16x128xf32> to vector<16x128xf32>
    %swap3A_142 = vector.shape_cast %min3A : vector<16x128xf32> to vector<1x1x16x128xf32>
    tpu.vector_store %arg2[%swap3A, %swap3A_137, %swap3A_138, %swap3A_139], %swap3A_142 {strides = array<i32>} : memref<2x5x16x128xf32, #tpu.memory_space<vmem>>, vector<1x1x16x128xf32>,
    %swap3A_143 = arith.constant 0 : index
    %swap3A_144 = arith.constant 1 : index
    %swap3A_145 = arith.constant 0 : index
    %swap3A_146 = arith.constant 0 : index
    %swap3A_147 = vector.load %arg2[%swap3A_143, %swap3A_144, %swap3A_145, %swap3A_146] : memref<2x5x16x128xf32, #tpu.memory_space<vmem>>, vector<1x1x16x128xf32>
    %swap3A_148 = vector.shape_cast %swap3A_147 : vector<1x1x16x128xf32> to vector<16x128xf32>
    %swap3A_149 = vector.shape_cast %min3A_49 : vector<16x128xf32> to vector<1x1x16x128xf32>
    tpu.vector_store %arg2[%swap3A_143, %swap3A_144, %swap3A_145, %swap3A_146], %swap3A_149 {strides = array<i32>} : memref<2x5x16x128xf32, #tpu.memory_space<vmem>>, vector<1x1x16x128xf32>,
    %swap3A_150 = arith.constant 0 : index
    %swap3A_151 = arith.constant 2 : index
    %swap3A_152 = arith.constant 0 : index
    %swap3A_153 = arith.constant 0 : index
    %swap3A_154 = vector.load %arg2[%swap3A_150, %swap3A_151, %swap3A_152, %swap3A_153] : memref<2x5x16x128xf32, #tpu.memory_space<vmem>>, vector<1x1x16x128xf32>
    %swap3A_155 = vector.shape_cast %swap3A_154 : vector<1x1x16x128xf32> to vector<16x128xf32>
    %swap3A_156 = vector.shape_cast %max3A : vector<16x128xf32> to vector<1x1x16x128xf32>
    tpu.vector_store %arg2[%swap3A_150, %swap3A_151, %swap3A_152, %swap3A_153], %swap3A_156 {strides = array<i32>} : memref<2x5x16x128xf32, #tpu.memory_space<vmem>>, vector<1x1x16x128xf32>,
    %swap3A_157 = arith.constant 0 : index
    %swap3A_158 = arith.constant 3 : index
    %swap3A_159 = arith.constant 0 : index
    %swap3A_160 = arith.constant 0 : index
    %swap3A_161 = vector.load %arg2[%swap3A_157, %swap3A_158, %swap3A_159, %swap3A_160] : memref<2x5x16x128xf32, #tpu.memory_space<vmem>>, vector<1x1x16x128xf32>
    %swap3A_162 = vector.shape_cast %swap3A_161 : vector<1x1x16x128xf32> to vector<16x128xf32>
    %swap3A_163 = vector.shape_cast %max3A_50 : vector<16x128xf32> to vector<1x1x16x128xf32>
    tpu.vector_store %arg2[%swap3A_157, %swap3A_158, %swap3A_159, %swap3A_160], %swap3A_163 {strides = array<i32>} : memref<2x5x16x128xf32, #tpu.memory_space<vmem>>, vector<1x1x16x128xf32>,
    %swap3A_164 = arith.constant 0 : index
    %swap3A_165 = arith.constant 4 : index
    %swap3A_166 = arith.constant 0 : index
    %swap3A_167 = arith.constant 0 : index
    %swap3A_168 = vector.load %arg2[%swap3A_164, %swap3A_165, %swap3A_166, %swap3A_167] : memref<2x5x16x128xf32, #tpu.memory_space<vmem>>, vector<1x1x16x128xf32>
    %swap3A_169 = vector.shape_cast %swap3A_168 : vector<1x1x16x128xf32> to vector<16x128xf32>
    %swap3A_170 = vector.shape_cast %scan3A_135#0 : vector<16x128xf32> to vector<1x1x16x128xf32>
    tpu.vector_store %arg2[%swap3A_164, %swap3A_165, %swap3A_166, %swap3A_167], %swap3A_170 {strides = array<i32>} : memref<2x5x16x128xf32, #tpu.memory_space<vmem>>, vector<1x1x16x128xf32>,
    %swap3A_171 = arith.constant 1 : index
    %swap3A_172 = arith.constant 0 : index
    %swap3A_173 = arith.constant 0 : index
    %swap3A_174 = arith.constant 0 : index
    %swap3A_175 = vector.load %arg2[%swap3A_171, %swap3A_172, %swap3A_173, %swap3A_174] : memref<2x5x16x128xf32, #tpu.memory_space<vmem>>, vector<1x1x16x128xf32>
    %swap3A_176 = vector.shape_cast %swap3A_175 : vector<1x1x16x128xf32> to vector<16x128xf32>
    %swap3A_177 = vector.shape_cast %min3A_111 : vector<16x128xf32> to vector<1x1x16x128xf32>
    tpu.vector_store %arg2[%swap3A_171, %swap3A_172, %swap3A_173, %swap3A_174], %swap3A_177 {strides = array<i32>} : memref<2x5x16x128xf32, #tpu.memory_space<vmem>>, vector<1x1x16x128xf32>,
    %swap3A_178 = arith.constant 1 : index
    %swap3A_179 = arith.constant 1 : index
    %swap3A_180 = arith.constant 0 : index
    %swap3A_181 = arith.constant 0 : index
    %swap3A_182 = vector.load %arg2[%swap3A_178, %swap3A_179, %swap3A_180, %swap3A_181] : memref<2x5x16x128xf32, #tpu.memory_space<vmem>>, vector<1x1x16x128xf32>
    %swap3A_183 = vector.shape_cast %swap3A_182 : vector<1x1x16x128xf32> to vector<16x128xf32>
    %swap3A_184 = vector.shape_cast %min3A_113 : vector<16x128xf32> to vector<1x1x16x128xf32>
    tpu.vector_store %arg2[%swap3A_178, %swap3A_179, %swap3A_180, %swap3A_181], %swap3A_184 {strides = array<i32>} : memref<2x5x16x128xf32, #tpu.memory_space<vmem>>, vector<1x1x16x128xf32>,
    %swap3A_185 = arith.constant 1 : index
    %swap3A_186 = arith.constant 2 : index
    %swap3A_187 = arith.constant 0 : index
    %swap3A_188 = arith.constant 0 : index
    %swap3A_189 = vector.load %arg2[%swap3A_185, %swap3A_186, %swap3A_187, %swap3A_188] : memref<2x5x16x128xf32, #tpu.memory_space<vmem>>, vector<1x1x16x128xf32>
    %swap3A_190 = vector.shape_cast %swap3A_189 : vector<1x1x16x128xf32> to vector<16x128xf32>
    %swap3A_191 = vector.shape_cast %max3A_112 : vector<16x128xf32> to vector<1x1x16x128xf32>
    tpu.vector_store %arg2[%swap3A_185, %swap3A_186, %swap3A_187, %swap3A_188], %swap3A_191 {strides = array<i32>} : memref<2x5x16x128xf32, #tpu.memory_space<vmem>>, vector<1x1x16x128xf32>,
    %swap3A_192 = arith.constant 1 : index
    %swap3A_193 = arith.constant 3 : index
    %swap3A_194 = arith.constant 0 : index
    %swap3A_195 = arith.constant 0 : index
    %swap3A_196 = vector.load %arg2[%swap3A_192, %swap3A_193, %swap3A_194, %swap3A_195] : memref<2x5x16x128xf32, #tpu.memory_space<vmem>>, vector<1x1x16x128xf32>
    %swap3A_197 = vector.shape_cast %swap3A_196 : vector<1x1x16x128xf32> to vector<16x128xf32>
    %swap3A_198 = vector.shape_cast %max3A_114 : vector<16x128xf32> to vector<1x1x16x128xf32>
    tpu.vector_store %arg2[%swap3A_192, %swap3A_193, %swap3A_194, %swap3A_195], %swap3A_198 {strides = array<i32>} : memref<2x5x16x128xf32, #tpu.memory_space<vmem>>, vector<1x1x16x128xf32>,
    %swap3A_199 = arith.constant 1 : index
    %swap3A_200 = arith.constant 4 : index
    %swap3A_201 = arith.constant 0 : index
    %swap3A_202 = arith.constant 0 : index
    %swap3A_203 = vector.load %arg2[%swap3A_199, %swap3A_200, %swap3A_201, %swap3A_202] : memref<2x5x16x128xf32, #tpu.memory_space<vmem>>, vector<1x1x16x128xf32>
    %swap3A_204 = vector.shape_cast %swap3A_203 : vector<1x1x16x128xf32> to vector<16x128xf32>
    %swap3A_205 = vector.shape_cast %scan3A_135#1 : vector<16x128xf32> to vector<1x1x16x128xf32>
    tpu.vector_store %arg2[%swap3A_199, %swap3A_200, %swap3A_201, %swap3A_202], %swap3A_205 {strides = array<i32>} : memref<2x5x16x128xf32, #tpu.memory_space<vmem>>, vector<1x1x16x128xf32>,
    return
  }
}

</mosaic_0001>

<sc_bundles>
// kernel: gather_offload_async_start.1
scs
__scs_entry_jumppad:
0x0: {  	(pc) =	sbr.rel $0x88, $3  }
0x1: {  	(tag) =	ssettag $0x0;
	lr =	simm.s32 $0x1  }
0x2: {  	[smem:$0x3F9F] =	sst lr;
	_ =	strace $0xD0000000  }
0x3: {  	_ = 	snop  }
0x4: {  	_ = 	snop  }
0x5: {  	_ = 	snop  }
0x6: {  	_ = 	snop  }
0x7: {  	_ = 	snop  }
__scs_overlays_trampoline_lowered:
0x8: {  	[smem:$0x3FAE] =	sst s0  }
0x9: {  	[smem:$0x3FAF] =	sst s1  }
0xa: {  	[smem:$0x3FB0] =	sst s2  }
0xb: {  	[smem:$0x3FB1] =	sst s3  }
0xc: {  	[smem:$0x3FB2] =	sst s4  }
0xd: {  	[smem:$0x3FB3] =	sst s5  }
0xe: {  	[smem:$0x3FB4] =	sst s6  }
0xf: {  	[smem:$0x3FB5] =	sst s7  }
0x10: {  	[smem:$0x3FB6] =	sst s8  }
0x11: {  	[smem:$0x3FB7] =	sst s9;
	s0 =	simm.s32 @!p0 $0x0  }
0x12: {  	s1 =	sld [smem:$0x3F9D];
	s0 =	simm.s32 @p0 $0x1  }
0x13: {  	[smem:$0x3FB8] =	sst s0;
	s0 =	simm.s32 @!p1 $0x0  }
0x14: {  	s2 =	sld [smem:$0x3F9C];
	s0 =	simm.s32 @p1 $0x1  }
0x15: {  	[smem:$0x3FB9] =	sst s0;
	s0 =	simm.s32 @!p2 $0x0  }
0x16: {  	s3 =	sld [smem:$0x3FDB];
	s0 =	simm.s32 @p2 $0x1  }
0x17: {  	s4 =	simm.s32 $0x1BF5;
	[smem:$0x3FBB] =	sst s0  }
0x18: {  	s0 =	sld [smem:$0x3F9E];
	_ =	swait.ge [sflag:s4], $0x0  }
0x19: {  	s7 =	sld [smem:$0x3F9F]  }
0x1a: {  	s8 =	sadd.s32 $0xFFFFE003, lr  }
0x1b: {  	s9 =	sadd.s32 $0xFFFFFEF7, lr;
	s5 =	simm.s32 $0xFFFFFFFF;
	p2 =	slt.u32 s8, $0xFFFFF086  }
0x1c: {  	p1 =	slt.u32 s9, $0xF7A;
	s5 =	simm.s32 @!p2 $0x0  }
0x1d: {  	s5 =	simm.s32 @p1 $0x1;
	p0 =	seq.s32 s7, s2  }
0x1e: {  	s7 =	smul.u32 @!p0 $0xF7A, s2;
	p2 =	seq.s32 @!p0 s5, $0x0  }
0x1f: {  	s9 =	smul.u32 $0xF7A, s1;
	s8 =	simm.s32 @!p0 $0x1BF5;
	p2 =	por !p2, p0  }
0x20: {  	[sflag:s8] =	ssyncset.s32 @!p0 $0xFFFFF086;
	s6 =	sadd.s32 @!p0 s3, s7;
	s7 =	simm.s32 @!p0 $0x108  }
0x21: {  	s3 =	sadd.s32 s3, s9;
	s6 =	sadd.s32 @!p0 $0x88, s6;
	s7 =	simm.s32 @p2 $0x1082  }
0x22: {  	[simem:s7], [sflag:s8] =	dma.local @!p0 [hbm:s6], $0xF7A  }
0x23: {  	s9 =	sor.u32 $0xD0000000, s2;
	s6 =	simm.s32 $0x108;
	_ =	swait.ge @!p0 [sflag:s8], $0x0  }
0x24: {  	s3 =	sadd.s32 $0x88, s3;
	s6 =	simm.s32 @!p1 $0x1082;
	[sflag:s4] =	ssyncset.s32 $0xFFFFF086  }
0x25: {  	[simem:s6], [sflag:s4] =	dma.local [hbm:s3], $0xF7A  }
0x26: {  	[smem:$0x3F9F] =	sst s1;
	(tag) =	ssettag s2;
	_ =	strace s9  }
0x27: {  	s1 =	sld [smem:$0x3FAF]  }
0x28: {  	s2 =	sld [smem:$0x3FB0]  }
0x29: {  	s4 =	sld [smem:$0x3FB2]  }
0x2a: {  	p0 =	seq.s32 s5, $0x0;
	s5 =	sld [smem:$0x3FB3]  }
0x2b: {  	s6 =	sld [smem:$0x3FB4]  }
0x2c: {  	s7 =	sld [smem:$0x3FB5]  }
0x2d: {  	s3 =	simm.s32 $0x108;
	s8 =	sld [smem:$0x3FB6]  }
0x2e: {  	s3 =	simm.s32 @!p0 $0x1082;
	s9 =	sld [smem:$0x3FB7]  }
0x2f: {  	lr =	sadd.s32 s0, s3;
	s0 =	sld [smem:$0x3FAE]  }
0x30: {  	s3 =	sld [smem:$0x3FB1]  }
0x31: {  	[smem:$0x3FBA] =	sst s10  }
0x32: {  	s10 =	sld [smem:$0x3FB8];
	_ =	sdelay $0x3  }
0x33: {  	p0 =	seq.s32 s10, $0x1;
	s10 =	sld [smem:$0x3FBA];
	_ =	sdelay $0x3  }
0x34: {  	[smem:$0x3FBA] =	sst s10  }
0x35: {  	s10 =	sld [smem:$0x3FB9];
	_ =	sdelay $0x3  }
0x36: {  	p1 =	seq.s32 s10, $0x1;
	s10 =	sld [smem:$0x3FBA];
	_ =	sdelay $0x3  }
0x37: {  	[smem:$0x3FBA] =	sst s10  }
0x38: {  	s10 =	sld [smem:$0x3FBB]  }
0x39: {  	_ = 	snop;
	(pc) =	sbr.ind lr, $3  }
0x3a: {  	_ = 	snop  }
0x3b: {  	_ = 	snop  }
0x3c: {  	p2 =	seq.s32 s10, $0x1;
	s10 =	sld [smem:$0x3FBA]  }
0x3d: {  	_ =	shalt  }
0x3e: {  	_ =	shalt  }
0x3f: {  	_ =	shalt  }
0x40: {  	_ =	shalt  }
0x41: {  	_ =	shalt  }
0x42: {  	_ =	shalt  }
0x43: {  	_ =	shalt  }
0x44: {  	_ =	shalt  }
0x45: {  	_ =	shalt  }
0x46: {  	_ =	shalt  }
0x47: {  	_ =	shalt  }
0x48: {  	_ =	shalt  }
0x49: {  	_ =	shalt  }
0x4a: {  	_ =	shalt  }
0x4b: {  	_ =	shalt  }
0x4c: {  	_ =	shalt  }
0x4d: {  	_ =	shalt  }
0x4e: {  	_ =	shalt  }
0x4f: {  	_ =	shalt  }
0x50: {  	_ =	shalt  }
0x51: {  	_ =	shalt  }
0x52: {  	_ =	shalt  }
0x53: {  	_ =	shalt  }
0x54: {  	_ =	shalt  }
0x55: {  	_ =	shalt  }
0x56: {  	_ =	shalt  }
0x57: {  	_ =	shalt  }
0x58: {  	_ =	shalt  }
0x59: {  	_ =	shalt  }
0x5a: {  	_ =	shalt  }
0x5b: {  	_ =	shalt  }
0x5c: {  	_ =	shalt  }
0x5d: {  	_ =	shalt  }
0x5e: {  	_ =	shalt  }
0x5f: {  	_ =	shalt  }
0x60: {  	_ =	shalt  }
0x61: {  	_ =	shalt  }
0x62: {  	_ =	shalt  }
0x63: {  	_ =	shalt  }
0x64: {  	_ =	shalt  }
0x65: {  	_ =	shalt  }
0x66: {  	_ =	shalt  }
0x67: {  	_ =	shalt  }
0x68: {  	_ =	shalt  }
0x69: {  	_ =	shalt  }
0x6a: {  	_ =	shalt  }
0x6b: {  	_ =	shalt  }
0x6c: {  	_ =	shalt  }
0x6d: {  	_ =	shalt  }
0x6e: {  	_ =	shalt  }
0x6f: {  	_ =	shalt  }
0x70: {  	_ =	shalt  }
0x71: {  	_ =	shalt  }
0x72: {  	_ =	shalt  }
0x73: {  	_ =	shalt  }
0x74: {  	_ =	shalt  }
0x75: {  	_ =	shalt  }
0x76: {  	_ =	shalt  }
0x77: {  	_ =	shalt  }
0x78: {  	_ =	shalt  }
0x79: {  	_ =	shalt  }
0x7a: {  	_ =	shalt  }
0x7b: {  	_ =	shalt  }
0x7c: {  	_ =	shalt  }
0x7d: {  	_ =	shalt  }
0x7e: {  	_ =	shalt  }
0x7f: {  	_ =	shalt  }
0x80: {  	_ =	shalt  }
0x81: {  	_ =	shalt  }
0x82: {  	_ =	shalt  }
0x83: {  	_ =	shalt  }
0x84: {  	_ =	shalt  }
0x85: {  	_ =	shalt  }
0x86: {  	_ =	shalt  }
0x87: {  	_ =	shalt  }
.Lfunc_end0:
.L_simem_size_0:
called_computation.1_lowered:
.L_overlay_start_0:
0x88: {  	s0 =	sld [smem:$0x3FD9]  }
0x89: {  	s1 =	sld [smem:$0x3FFE];
	_ =	sdelay $0x3  }
0x8a: {  	s0 =	sadd.s32 s1, s0  }
0x8b: {  	[smem:$0x3FC6] =	sst s0  }
0x8c: {  	_ = 	snop  }
0x8d: {  	s0 =	sld [smem:$0x3FD0];
	(tm) =	ssettm $0x1  }
0x8e: {  	s16 =	sld [smem:$0x3FFB];
	_ =	sdelay $0x3  }
0x8f: {  	_ =	strace s16  }
0x90: {  	s1 =	sld [smem:$0x3FFC];
	_ =	sdelay $0x3  }
0x91: {  	_ =	strace s1  }
0x92: {  	s1 =	sld [smem:$0x3FFD];
	_ =	sdelay $0x3  }
0x93: {  	_ =	strace s1  }
0x94: {  	_ =	strace $0x8FFFFFFF  }
0x95: {  	s17 =	sld [smem:$0x3FDB];
	_ =	sdelay $0x1  }
0x96: {  	s2 =	simm.s32 $_scs_section_size  }
0x97: {  	s3 =	simm.s32 $_size__tile_overlayer_lowered;
	s4 =	simm.s32 $_tile_overlayer_lowered  }
0x98: {  	s20 =	simm.s32 $0x1BFF;
	s19 =	sshll.u32 s4, $0x1;
	s1 =	sadd.s32 s2, s17  }
0x99: {  	s5 =	simm.s32 $0x0;
	s18 =	sshll.u32 s3, $0x1;
	s3 =	sadd.s32 s19, s1  }
0x9a: {  	[timem:s5], [sflag:s20] =	dma.local [hbm:s3], s18  }
0x9b: {  	_ =	swait.ge [sflag:s20], s18  }
0x9c: {  	s2 =	ssub.s32 $0x0, s18;
	[sflag:s20] =	ssyncset.done $0x0  }
0x9d: {  	[sflag:s20] =	ssyncadd.s32 s2;
	_ =	sdelay $0x1  }
0x9e: {  	s21 =	simm.s32 $0x1B8B  }
0x9f: {  	_ =	swait.ge [sflag:s21], $0x1  }
0xa0: {  	[sflag:s21] =	ssyncset.done $0x0  }
0xa1: {  	s23 =	simm.s32 $0x1B8E;
	s22 =	sld [smem:$0x3FFE];
	[sflag:s21] =	ssyncadd.s32 $0xFFFFFFFF  }
0xa2: {  	s24 =	simm.s32 $execute0_lowered;
	[smem:$0x3FD2] =	sst s23  }
0xa3: {  	s3 =	sshll.u32 s24, $0x1;
	_ =	strace $0x8000004F;
	[dreg:$0x1] =	wrdreg $0xFFFFFFFF  }
0xa4: {  	s25 =	simm.s32 $_size_execute0_lowered;
	s1 =	sadd.s32 s1, s3;
	[dreg:$0x0] =	wrdreg $0x0  }
0xa5: {  	s3 =	sshll.u32 s25, $0x1;
	[dreg:$0x2] =	wrdreg s1  }
0xa6: {  	[dreg:$0x3] =	wrdreg s3  }
0xa7: {  	[dreg:$0x4] =	wrdreg $0xC0  }
0xa8: {  	_ =	task [dreg:s5], $0x5FFFF  }
0xa9: {  	[dreg:$0x1] =	wrdreg $0xFFFFFFFF  }
0xaa: {  	[dreg:$0x0] =	wrdreg $0x60  }
0xab: {  	[dreg:$0x2] =	wrdreg s22  }
0xac: {  	[dreg:$0x3] =	wrdreg s0  }
0xad: {  	[dreg:$0x4] =	wrdreg $0x9  }
0xae: {  	_ =	task.clear_ibuf [dreg:s5], $0x5FFFF;
	_ =	strace $0x9000004F  }
0xaf: {  	s26 =	simm.s32 $0x9;
	_ =	strace $0x80000051  }
0xb0: {  	_ =	swait.ge [sflag:s26], $0x1  }
0xb1: {  	[sflag:s26] =	ssyncadd.s32 $0xFFFFFFFF  }
0xb2: {  	_ =	strace $0x90000051  }
0xb3: {  	_ =	sfence  }
0xb4: {  	s28 =	sld [smem:$0x0];
	_ =	sdelay $0x1  }
0xb5: {  	s29 =	srdreg.scid  }
0xb6: {  	s30 =	sshll.u32 s29, $0xD;
	s31 =	sshrl.u32 s29, $0x2  }
0xb7: {  	s2 =	sand.u32 $0x4000, s30;
	s1 =	sand.u32 $0x1, s29;
	s0 =	sadd.s32 s31, s28  }
0xb8: {  	s1 =	sor.u32 s2, s1;
	s0 =	sshll.u32 s0, $0x11  }
0xb9: {  	s0 =	sor.u32 s0, s1  }
0xba: {  	s0 =	sadd.s32 $0x8F2B, s0  }
0xbb: {  	[sflag:s0] =	ssyncadd.remote.s32 $0x1  }
0xbc: {  	_ =	sfence.sel $0xFFFF  }
0xbd: {  	[dreg:$0x0] =	wrdreg $0xFFFFFFFF;
	(pc) =	sbr.abs _section_cstart, $3  }
0xbe: {  	[dreg:$0x1] =	wrdreg $0xFFFFFFFF  }
0xbf: {  	_ =	task.clear_ibuf [dreg:s5], $0x2FFFF;
	_ =	strace $0x9FFFFFFF  }
0xc0: {  	(tm) =	ssettm $0x7FFFFFFF  }
0xc1: {  	_ =	shalt  }
tec
execute0_lowered:
.L_overlay_start_1:
0x0: {  	(tag) =	ssettag $0x1  }
0x1: {  	s0 =	stileid.u32  }
0x2: {  	s1 =	smin.u32 s0, $0x9  }
0x3: {  	s1 =	sadd.s32 s0, s1  }
0x4: {  	s2 =	simm.s32 $0xA0;
	p0 =	slt.u32 s0, $0x9;
	s1 =	smul.u32 $0x50, s1  }
0x5: {  	s2 =	simm.s32 @!p0 $0x50  }
0x6: {  	s2 =	sadd.s32 s2, s1  }
0x7: {  	s3 =	smin.u32 s2, $0x7D0  }
0x8: {  	s7 =	ssub.s32 s3, s1  }
0x9: {  	p0 =	sgt.s32 s7, $0x0  }
0xa: {  	s7 =	simm.s32 @!p0 $0x0  }
0xb: {  	s9 =	rddreg [dreg:$0x0];
	s31 =	smul.u32 $0xCCCD, s7  }
0xc: {  	s4 =	rddreg [dreg:$0x1];
	s6 =	simm.s32 $0x1  }
0xd: {  	s11 =	simm.s32 $0x3;
	s13 =	simm.s32 $0x0;
	s8 =	sshrl.u32 s31, $0x16  }
0xe: {  	s12 =	simm.s32 $0x0;
	s5 =	sadd.s32 $0x200, s9;
	s10 =	smul.u32 $0x50, s8  }
.Ltmp0:
0xf: {  	s9 =	sadd.s32 $0xFC00, s9;
	s2 =	rddreg [dreg:$0x2];
	(pc) =	sbr.rel .LBB2_1-.Ltmp0, $4  }
0x10: {  	_ =	strace $0x80000050;
	p0 =	sne.s32 s7, s10;
	s10 =	simm.s32 $0x1  }
0x11: {  	[sflag:s6] =	ssyncpa.u1 $0x0;
	s7 =	simm.s32 $0x2;
	s10 =	simm.s32 @!p0 $0x0  }
0x12: {  	[sflag:s7] =	ssyncpa.u1 $0x0;
	p0 =	por $0x0, $0x0;
	s8 =	sadd.s32 s8, s10  }
0x13: {  	v0 =	vimm.s32 $0x0;
	vm0 =	vmmov $0xff;
	vm1 =	vcmask $0x3F20;
	[sflag:s11] =	ssyncpa.u1 $0x0;
	s11 =	smov.u32 s1;
	s10 =	sadd.s32 $0x1, s8  }
.LBB2_6:
0x14: {  	[hbm:s17] =	stream.linear.scatter [tilespmem:s14], [sflag:$0x3], $0x400, $0x38;
	[tilespmem:$0x50A0] =	vst v63  }
.LBB2_7:
0x15: {  	s13 =	sadd.s32 $0x50, s11  }
0x16: {  	s15 =	smov.u32 s1;
	p2 =	slt.s32 s13, s3  }
0x17: {  	s15 =	smov.u32 @p2 s13;
	p2 =	sne.s32 s12, s10  }
.Ltmp1:
0x18: {  	p1 =	slt.u32 s12, $0x2;
	(pc) =	sbr.rel @!p2 .LBB2_8-.Ltmp1, $4  }
0x19: {  	s14 =	simm.s32 @!p1 $0x3  }
0x1a: {  	s16 =	sadd.s32 $0x1, s12;
	_ =	swait.ge @!p1 [sflag:s14], $0x2800  }
0x1b: {  	p0 =	por !p0, !p0;
	s13 =	smov.u32 s11;
	[sflag:s14] =	ssyncset.done @!p1 $0x0  }
0x1c: {  	s12 =	smov.u32 s16;
	s11 =	smov.u32 s15;
	[sflag:s14] =	ssyncadd.s32 @!p1 $0xFFFFD800  }
.LBB2_1:
0x1d: {  	p1 =	sge.u32 s12, s8  }
0x1e: {  	s14 =	sxor.u32 @!p1 $0xFFFFFFFF, s12  }
0x1f: {  	s14 =	sand.u32 @!p1 $0x1, s14  }
0x20: {  	s14 =	smul.u32 @!p1 $0x140, s14  }
0x21: {  	s31 =	sadd.s32 $0xFFFFFFFF, s12;
	s15 =	sshrl.u32 @!p1 s11, $0x3  }
0x22: {  	s16 =	sand.u32 @!p1 $0x7, s11;
	s15 =	sadd.s32 @!p1 s4, s15;
	s14 =	sshrl.u32 @!p1 s14, $0x2  }
0x23: {  	[tilespmem:s14], [sflag:$0x2] =	stream.linear.gather @!p1 [hbm4b:s15+s16], $0x50, $0x38;
	[tilespmem:$0x50A0] =	vst v63  }
0x24: {  	p1 =	sge.u32 s31, s8  }
.Ltmp2:
0x25: {  	_ = 	snop;
	(pc) =	sbr.rel @p1 .LBB2_7-.Ltmp2, $1  }
0x26: {  	_ =	sdelay $0x3  }
0x27: {  	s14 =	simm.s32 $0x1  }
0x28: {  	s14 =	simm.s32 @!p0 $0x0  }
0x29: {  	s15 =	smul.u32 $0x140, s14  }
0x2a: {  	_ =	swait.ge [sflag:s7], $0x50  }
0x2b: {  	[sflag:s7] =	ssyncset.done $0x0;
	s16 =	sshrl.u32 s15, $0x2  }
0x2c: {  	[sflag:s7] =	ssyncadd.s32 $0xFFFFFFB0;
	s15 =	sadd.s32 $0x0, s16  }
0x2d: {  	v1 =	vld.msk [tilespmem:s15+$0x0 ss:$0x1], $0xffff;
	_ =	sdelay $0x4  }
0x2e: {  	v2 =	vand.u32 $0x1, v1;
	v3 =	vshll.u32 v1, $0x6  }
0x2f: {  	vm2 =	veq.s32 v1, $0x80000000;
	vm3 =	veq.s32 v2, $0x1;
	v1 =	vand.u32 $0x3FF80, v3  }
0x30: {  	v2 =	vsel vm3, $0x3E800, v0;
	v1 =	vsel vm2, $0xFFFFFF80, v1  }
0x31: {  	v2 =	vsel vm2, $0xFFFC1800, v2;
	v3 =	vand.u32 $0xFFFFFC00, v1  }
0x32: {  	v1 =	vand.u32 $0x380, v1;
	v2 =	vadd.s32 v2, v3  }
0x33: {  	v1 =	vor.u32 v1, v2  }
0x34: {  	v1 =	vshrl.u32 v1, $0x3  }
0x35: {  	s14 =	smul.u32 $0xA000, s14;
	_ =	sdelay $0x1  }
0x36: {  	s14 =	sshrl.u32 s14, $0x2  }
0x37: {  	s14 =	sor.u32 $0xA0, s14  }
0x38: {  	[tilespmem:s14], [sflag:$0x1] =	stream.indirect_vreg.gather [hbm:s5], $0x80, v1, vm0, $0x38;
	[tilespmem:$0x50A0] =	vst v63  }
0x39: {  	s17 =	sadd.s32 $0x10, s16;
	s15 =	sadd.s32 $0x400, s14  }
0x3a: {  	[tilespmem:s15], [sflag:$0x1] =	stream.indirect_vreg.gather [hbm:s5], $0x80, v1, vm1, $0x38;
	[tilespmem:$0x50A0] =	vst v63  }
0x3b: {  	s18 =	simm.s32 $0x80;
	v1 =	vld.msk [tilespmem:s17+$0x0 ss:$0x1], $0xffff;
	s17 =	smov.u32 s14  }
.LBB2_3:
0x3c: {  	p1 =	sne.s32 s18, $0x100;
	_ =	sdelay $0x4  }
0x3d: {  	v2 =	vand.u32 $0x1, v1;
	v3 =	vshll.u32 v1, $0x6  }
0x3e: {  	vm2 =	veq.s32 v1, $0x80000000;
	vm3 =	veq.s32 v2, $0x1;
	v1 =	vand.u32 $0x3FF80, v3  }
0x3f: {  	v2 =	vsel vm3, $0x3E800, v0;
	v1 =	vsel vm2, $0xFFFFFF80, v1  }
0x40: {  	v2 =	vsel vm2, $0xFFFC1800, v2;
	v3 =	vand.u32 $0xFFFFFC00, v1  }
0x41: {  	v1 =	vand.u32 $0x380, v1;
	v2 =	vadd.s32 v2, v3  }
0x42: {  	v1 =	vor.u32 v1, v2  }
0x43: {  	v1 =	vshrl.u32 v1, $0x3;
	_ =	sdelay $0x3  }
.Ltmp3:
0x44: {  	s19 =	sshra.s32 s18, $0x2;
	s17 =	sadd.s32 $0x800, s17;
	(pc) =	sbr.rel @p1 .LBB2_3-.Ltmp3, $4  }
0x45: {  	[tilespmem:s17], [sflag:$0x1] =	stream.indirect_vreg.gather [hbm:s5], $0x80, v1, vm0, $0x38;
	[tilespmem:$0x50A0] =	vst v63  }
0x46: {  	s19 =	sadd.s32 s19, s16;
	s20 =	sadd.s32 $0x400, s17  }
0x47: {  	[tilespmem:s20], [sflag:$0x1] =	stream.indirect_vreg.gather [hbm:s5], $0x80, v1, vm1, $0x38;
	[tilespmem:$0x50A0] =	vst v63  }
0x48: {  	s18 =	sadd.s32 $0x40, s18;
	v1 =	vld.msk [tilespmem:s19+$0x0 ss:$0x1], $0xffff  }
0x49: {  	_ =	sdelay $0x3  }
0x4a: {  	v2 =	vand.u32 $0x1, v1;
	v3 =	vshll.u32 v1, $0x6  }
0x4b: {  	vm2 =	veq.s32 v1, $0x80000000;
	vm3 =	veq.s32 v2, $0x1;
	v1 =	vand.u32 $0x3FF80, v3  }
0x4c: {  	v2 =	vsel vm3, $0x3E800, v0;
	v1 =	vsel vm2, $0xFFFFFF80, v1  }
0x4d: {  	v2 =	vsel vm2, $0xFFFC1800, v2;
	v3 =	vand.u32 $0xFFFFFC00, v1  }
0x4e: {  	v1 =	vand.u32 $0x380, v1;
	v2 =	vadd.s32 v2, v3  }
0x4f: {  	v1 =	vor.u32 v1, v2  }
0x50: {  	v1 =	vshrl.u32 v1, $0x3;
	_ =	sdelay $0x3  }
0x51: {  	s16 =	sadd.s32 $0x800, s17  }
0x52: {  	[tilespmem:s16], [sflag:$0x1] =	stream.indirect_vreg.gather [hbm:s5], $0x80, v1, vm0, $0x38;
	[tilespmem:$0x50A0] =	vst v63  }
0x53: {  	s16 =	sadd.s32 $0x400, s16  }
0x54: {  	[tilespmem:s16], [sflag:$0x1] =	stream.indirect_vreg.gather [hbm:s5], $0x80, v1, vm1, $0x38;
	[tilespmem:$0x50A0] =	vst v63  }
0x55: {  	s13 =	sshll.u32 s13, $0x4;
	_ =	swait.ge [sflag:s6], $0x2800  }
0x56: {  	s13 =	sadd.s32 s13, s9;
	[sflag:s6] =	ssyncset.done $0x0  }
0x57: {  	s17 =	sadd.s32 $0x0, s13;
	s16 =	simm.s32 $0x80;
	[sflag:s6] =	ssyncadd.s32 $0xFFFFD800  }
.LBB2_5:
0x58: {  	[hbm:s17] =	stream.linear.scatter [tilespmem:s14], [sflag:$0x3], $0x400, $0x38;
	[tilespmem:$0x50A0] =	vst v63  }
0x59: {  	s17 =	smov.u32 s16;
	s14 =	smov.u32 s15;
	p1 =	sne.s32 s16, $0x480  }
.Ltmp4:
0x5a: {  	s16 =	sadd.s32 $0x80, s16;
	(pc) =	sbr.rel @p1 .LBB2_5-.Ltmp4, $2  }
0x5b: {  	_ =	sdelay $0x2  }
0x5c: {  	s15 =	sadd.s32 $0x400, s15;
	s17 =	sadd.s32 s17, s13  }
.Ltmp5:
0x5d: {  	_ = 	snop;
	(pc) =	sbr.rel .LBB2_6-.Ltmp5, $1  }
0x5e: {  	_ =	sdelay $0x3  }
.LBB2_8:
0x5f: {  	_ =	sfence.sel $0x180000  }
0x60: {  	s1 =	simm.s32 $0x2;
	[bflag:$0x0] =	sbarrier.arrive $0xFFFF  }
0x61: {  	s30 =	simm.s32 $0x3;
	[sflag:s1] =	ssyncpa.u1 $0x1  }
0x62: {  	s31 =	simm.s32 $0x1;
	[sflag:s30] =	ssyncpa.u1 $0x1  }
0x63: {  	[sflag:s31] =	ssyncpa.u1 $0x1  }
0x64: {  	p0 =	sne.s32 s0, $0x0;
	_ =	strace $0x90000050  }
0x65: {  	s0 =	sadd.s32 @!p0 $0x100000, s2;
	[bflag:$0x2] =	sbarrier.arrive $0xFFFF  }
0x66: {  	[sflag:s0] =	ssyncadd.tile.s32 @!p0 $0x1;
	_ =	shalt  }
.Lfunc_end2:
_tile_overlayer_lowered:
.L_overlay_start_2:
0x67: {  	(tag) =	ssettag $0x2  }
0x68: {  	s0 =	rddreg [dreg:$0x0];
	s2 =	stileid.u32  }
0x69: {  	s1 =	rddreg [dreg:$0x1];
	p0 =	sne.s32 s2, $0x0  }
0x6a: {  	s3 =	rddreg [dreg:$0x2];
	[bflag:$0x3] =	sbarrier.arrive $0xFFFF;
	s2 =	simm.s32 @!p0 $0x1C01  }
0x6b: {  	[timem:s3], [sflag:s2] =	dma.local @!p0 [hbm:s0], s1  }
0x6c: {  	s0 =	simm.s32 @!p0 $0x1  }
0x6d: {  	_ =	swait.ge @!p0 [sflag:s0], s1  }
0x6e: {  	s1 =	ssub.s32 @!p0 $0x0, s1;
	[sflag:s0] =	ssyncset.done @!p0 $0x0  }
0x6f: {  	[sflag:s0] =	ssyncadd.s32 @!p0 s1  }
0x70: {  	[bflag:$0x3] =	sbarrier.arrive $0xFFFF  }
0x71: {  	_ =	shalt  }

// kernel: gather_offload_async_start.2
scs
__scs_entry_jumppad:
0x0: {  	(pc) =	sbr.rel $0x88, $3  }
0x1: {  	(tag) =	ssettag $0x0;
	lr =	simm.s32 $0x1  }
0x2: {  	[smem:$0x3F9F] =	sst lr;
	_ =	strace $0xD0000000  }
0x3: {  	_ = 	snop  }
0x4: {  	_ = 	snop  }
0x5: {  	_ = 	snop  }
0x6: {  	_ = 	snop  }
0x7: {  	_ = 	snop  }
__scs_overlays_trampoline_lowered:
0x8: {  	[smem:$0x3FAE] =	sst s0  }
0x9: {  	[smem:$0x3FAF] =	sst s1  }
0xa: {  	[smem:$0x3FB0] =	sst s2  }
0xb: {  	[smem:$0x3FB1] =	sst s3  }
0xc: {  	[smem:$0x3FB2] =	sst s4  }
0xd: {  	[smem:$0x3FB3] =	sst s5  }
0xe: {  	[smem:$0x3FB4] =	sst s6  }
0xf: {  	[smem:$0x3FB5] =	sst s7  }
0x10: {  	[smem:$0x3FB6] =	sst s8  }
0x11: {  	[smem:$0x3FB7] =	sst s9;
	s0 =	simm.s32 @!p0 $0x0  }
0x12: {  	s1 =	sld [smem:$0x3F9D];
	s0 =	simm.s32 @p0 $0x1  }
0x13: {  	[smem:$0x3FB8] =	sst s0;
	s0 =	simm.s32 @!p1 $0x0  }
0x14: {  	s2 =	sld [smem:$0x3F9C];
	s0 =	simm.s32 @p1 $0x1  }
0x15: {  	[smem:$0x3FB9] =	sst s0;
	s0 =	simm.s32 @!p2 $0x0  }
0x16: {  	s3 =	sld [smem:$0x3FDB];
	s0 =	simm.s32 @p2 $0x1  }
0x17: {  	s4 =	simm.s32 $0x1BF5;
	[smem:$0x3FBB] =	sst s0  }
0x18: {  	s0 =	sld [smem:$0x3F9E];
	_ =	swait.ge [sflag:s4], $0x0  }
0x19: {  	s7 =	sld [smem:$0x3F9F]  }
0x1a: {  	s8 =	sadd.s32 $0xFFFFE003, lr  }
0x1b: {  	s9 =	sadd.s32 $0xFFFFFEF7, lr;
	s5 =	simm.s32 $0xFFFFFFFF;
	p2 =	slt.u32 s8, $0xFFFFF086  }
0x1c: {  	p1 =	slt.u32 s9, $0xF7A;
	s5 =	simm.s32 @!p2 $0x0  }
0x1d: {  	s5 =	simm.s32 @p1 $0x1;
	p0 =	seq.s32 s7, s2  }
0x1e: {  	s7 =	smul.u32 @!p0 $0xF7A, s2;
	p2 =	seq.s32 @!p0 s5, $0x0  }
0x1f: {  	s9 =	smul.u32 $0xF7A, s1;
	s8 =	simm.s32 @!p0 $0x1BF5;
	p2 =	por !p2, p0  }
0x20: {  	[sflag:s8] =	ssyncset.s32 @!p0 $0xFFFFF086;
	s6 =	sadd.s32 @!p0 s3, s7;
	s7 =	simm.s32 @!p0 $0x108  }
0x21: {  	s3 =	sadd.s32 s3, s9;
	s6 =	sadd.s32 @!p0 $0x88, s6;
	s7 =	simm.s32 @p2 $0x1082  }
0x22: {  	[simem:s7], [sflag:s8] =	dma.local @!p0 [hbm:s6], $0xF7A  }
0x23: {  	s9 =	sor.u32 $0xD0000000, s2;
	s6 =	simm.s32 $0x108;
	_ =	swait.ge @!p0 [sflag:s8], $0x0  }
0x24: {  	s3 =	sadd.s32 $0x88, s3;
	s6 =	simm.s32 @!p1 $0x1082;
	[sflag:s4] =	ssyncset.s32 $0xFFFFF086  }
0x25: {  	[simem:s6], [sflag:s4] =	dma.local [hbm:s3], $0xF7A  }
0x26: {  	[smem:$0x3F9F] =	sst s1;
	(tag) =	ssettag s2;
	_ =	strace s9  }
0x27: {  	s1 =	sld [smem:$0x3FAF]  }
0x28: {  	s2 =	sld [smem:$0x3FB0]  }
0x29: {  	s4 =	sld [smem:$0x3FB2]  }
0x2a: {  	p0 =	seq.s32 s5, $0x0;
	s5 =	sld [smem:$0x3FB3]  }
0x2b: {  	s6 =	sld [smem:$0x3FB4]  }
0x2c: {  	s7 =	sld [smem:$0x3FB5]  }
0x2d: {  	s3 =	simm.s32 $0x108;
	s8 =	sld [smem:$0x3FB6]  }
0x2e: {  	s3 =	simm.s32 @!p0 $0x1082;
	s9 =	sld [smem:$0x3FB7]  }
0x2f: {  	lr =	sadd.s32 s0, s3;
	s0 =	sld [smem:$0x3FAE]  }
0x30: {  	s3 =	sld [smem:$0x3FB1]  }
0x31: {  	[smem:$0x3FBA] =	sst s10  }
0x32: {  	s10 =	sld [smem:$0x3FB8];
	_ =	sdelay $0x3  }
0x33: {  	p0 =	seq.s32 s10, $0x1;
	s10 =	sld [smem:$0x3FBA];
	_ =	sdelay $0x3  }
0x34: {  	[smem:$0x3FBA] =	sst s10  }
0x35: {  	s10 =	sld [smem:$0x3FB9];
	_ =	sdelay $0x3  }
0x36: {  	p1 =	seq.s32 s10, $0x1;
	s10 =	sld [smem:$0x3FBA];
	_ =	sdelay $0x3  }
0x37: {  	[smem:$0x3FBA] =	sst s10  }
0x38: {  	s10 =	sld [smem:$0x3FBB]  }
0x39: {  	_ = 	snop;
	(pc) =	sbr.ind lr, $3  }
0x3a: {  	_ = 	snop  }
0x3b: {  	_ = 	snop  }
0x3c: {  	p2 =	seq.s32 s10, $0x1;
	s10 =	sld [smem:$0x3FBA]  }
0x3d: {  	_ =	shalt  }
0x3e: {  	_ =	shalt  }
0x3f: {  	_ =	shalt  }
0x40: {  	_ =	shalt  }
0x41: {  	_ =	shalt  }
0x42: {  	_ =	shalt  }
0x43: {  	_ =	shalt  }
0x44: {  	_ =	shalt  }
0x45: {  	_ =	shalt  }
0x46: {  	_ =	shalt  }
0x47: {  	_ =	shalt  }
0x48: {  	_ =	shalt  }
0x49: {  	_ =	shalt  }
0x4a: {  	_ =	shalt  }
0x4b: {  	_ =	shalt  }
0x4c: {  	_ =	shalt  }
0x4d: {  	_ =	shalt  }
0x4e: {  	_ =	shalt  }
0x4f: {  	_ =	shalt  }
0x50: {  	_ =	shalt  }
0x51: {  	_ =	shalt  }
0x52: {  	_ =	shalt  }
0x53: {  	_ =	shalt  }
0x54: {  	_ =	shalt  }
0x55: {  	_ =	shalt  }
0x56: {  	_ =	shalt  }
0x57: {  	_ =	shalt  }
0x58: {  	_ =	shalt  }
0x59: {  	_ =	shalt  }
0x5a: {  	_ =	shalt  }
0x5b: {  	_ =	shalt  }
0x5c: {  	_ =	shalt  }
0x5d: {  	_ =	shalt  }
0x5e: {  	_ =	shalt  }
0x5f: {  	_ =	shalt  }
0x60: {  	_ =	shalt  }
0x61: {  	_ =	shalt  }
0x62: {  	_ =	shalt  }
0x63: {  	_ =	shalt  }
0x64: {  	_ =	shalt  }
0x65: {  	_ =	shalt  }
0x66: {  	_ =	shalt  }
0x67: {  	_ =	shalt  }
0x68: {  	_ =	shalt  }
0x69: {  	_ =	shalt  }
0x6a: {  	_ =	shalt  }
0x6b: {  	_ =	shalt  }
0x6c: {  	_ =	shalt  }
0x6d: {  	_ =	shalt  }
0x6e: {  	_ =	shalt  }
0x6f: {  	_ =	shalt  }
0x70: {  	_ =	shalt  }
0x71: {  	_ =	shalt  }
0x72: {  	_ =	shalt  }
0x73: {  	_ =	shalt  }
0x74: {  	_ =	shalt  }
0x75: {  	_ =	shalt  }
0x76: {  	_ =	shalt  }
0x77: {  	_ =	shalt  }
0x78: {  	_ =	shalt  }
0x79: {  	_ =	shalt  }
0x7a: {  	_ =	shalt  }
0x7b: {  	_ =	shalt  }
0x7c: {  	_ =	shalt  }
0x7d: {  	_ =	shalt  }
0x7e: {  	_ =	shalt  }
0x7f: {  	_ =	shalt  }
0x80: {  	_ =	shalt  }
0x81: {  	_ =	shalt  }
0x82: {  	_ =	shalt  }
0x83: {  	_ =	shalt  }
0x84: {  	_ =	shalt  }
0x85: {  	_ =	shalt  }
0x86: {  	_ =	shalt  }
0x87: {  	_ =	shalt  }
.Lfunc_end0:
.L_simem_size_0:
called_computation.2_lowered:
.L_overlay_start_0:
0x88: {  	s0 =	sld [smem:$0x3FD9]  }
0x89: {  	s1 =	sld [smem:$0x3FFE];
	_ =	sdelay $0x3  }
0x8a: {  	s0 =	sadd.s32 s1, s0  }
0x8b: {  	[smem:$0x3FC6] =	sst s0  }
0x8c: {  	_ = 	snop  }
0x8d: {  	s0 =	sld [smem:$0x3FD0];
	(tm) =	ssettm $0x1  }
0x8e: {  	s16 =	sld [smem:$0x3FFB];
	_ =	sdelay $0x3  }
0x8f: {  	_ =	strace s16  }
0x90: {  	s1 =	sld [smem:$0x3FFC];
	_ =	sdelay $0x3  }
0x91: {  	_ =	strace s1  }
0x92: {  	s1 =	sld [smem:$0x3FFD];
	_ =	sdelay $0x3  }
0x93: {  	_ =	strace s1  }
0x94: {  	_ =	strace $0x8FFFFFFF  }
0x95: {  	s17 =	sld [smem:$0x3FDB];
	_ =	sdelay $0x1  }
0x96: {  	s2 =	simm.s32 $_scs_section_size  }
0x97: {  	s3 =	simm.s32 $_size__tile_overlayer_lowered;
	s4 =	simm.s32 $_tile_overlayer_lowered  }
0x98: {  	s20 =	simm.s32 $0x1BFF;
	s19 =	sshll.u32 s4, $0x1;
	s1 =	sadd.s32 s2, s17  }
0x99: {  	s5 =	simm.s32 $0x0;
	s18 =	sshll.u32 s3, $0x1;
	s3 =	sadd.s32 s19, s1  }
0x9a: {  	[timem:s5], [sflag:s20] =	dma.local [hbm:s3], s18  }
0x9b: {  	_ =	swait.ge [sflag:s20], s18  }
0x9c: {  	s2 =	ssub.s32 $0x0, s18;
	[sflag:s20] =	ssyncset.done $0x0  }
0x9d: {  	[sflag:s20] =	ssyncadd.s32 s2;
	_ =	sdelay $0x1  }
0x9e: {  	s21 =	simm.s32 $0x1B8B  }
0x9f: {  	_ =	swait.ge [sflag:s21], $0x1  }
0xa0: {  	[sflag:s21] =	ssyncset.done $0x0  }
0xa1: {  	s23 =	simm.s32 $0x1B8E;
	s22 =	sld [smem:$0x3FFE];
	[sflag:s21] =	ssyncadd.s32 $0xFFFFFFFF  }
0xa2: {  	s24 =	simm.s32 $execute0_lowered;
	[smem:$0x3FD2] =	sst s23  }
0xa3: {  	s3 =	sshll.u32 s24, $0x1;
	_ =	strace $0x80000049;
	[dreg:$0x1] =	wrdreg $0xFFFFFFFF  }
0xa4: {  	s25 =	simm.s32 $_size_execute0_lowered;
	s1 =	sadd.s32 s1, s3;
	[dreg:$0x0] =	wrdreg $0x0  }
0xa5: {  	s3 =	sshll.u32 s25, $0x1;
	[dreg:$0x2] =	wrdreg s1  }
0xa6: {  	[dreg:$0x3] =	wrdreg s3  }
0xa7: {  	[dreg:$0x4] =	wrdreg $0xC0  }
0xa8: {  	_ =	task [dreg:s5], $0x5FFFF  }
0xa9: {  	[dreg:$0x1] =	wrdreg $0xFFFFFFFF  }
0xaa: {  	[dreg:$0x0] =	wrdreg $0x60  }
0xab: {  	[dreg:$0x2] =	wrdreg s22  }
0xac: {  	[dreg:$0x3] =	wrdreg s0  }
0xad: {  	[dreg:$0x4] =	wrdreg $0x9  }
0xae: {  	_ =	task.clear_ibuf [dreg:s5], $0x5FFFF;
	_ =	strace $0x90000049  }
0xaf: {  	s26 =	simm.s32 $0x9;
	_ =	strace $0x8000004B  }
0xb0: {  	_ =	swait.ge [sflag:s26], $0x1  }
0xb1: {  	[sflag:s26] =	ssyncadd.s32 $0xFFFFFFFF  }
0xb2: {  	_ =	strace $0x9000004B  }
0xb3: {  	_ =	sfence  }
0xb4: {  	s28 =	sld [smem:$0x0];
	_ =	sdelay $0x1  }
0xb5: {  	s29 =	srdreg.scid  }
0xb6: {  	s30 =	sshll.u32 s29, $0xD;
	s31 =	sshrl.u32 s29, $0x2  }
0xb7: {  	s2 =	sand.u32 $0x4000, s30;
	s1 =	sand.u32 $0x1, s29;
	s0 =	sadd.s32 s31, s28  }
0xb8: {  	s1 =	sor.u32 s2, s1;
	s0 =	sshll.u32 s0, $0x11  }
0xb9: {  	s0 =	sor.u32 s0, s1  }
0xba: {  	s0 =	sadd.s32 $0x8F2B, s0  }
0xbb: {  	[sflag:s0] =	ssyncadd.remote.s32 $0x1  }
0xbc: {  	_ =	sfence.sel $0xFFFF  }
0xbd: {  	[dreg:$0x0] =	wrdreg $0xFFFFFFFF;
	(pc) =	sbr.abs _section_cstart, $3  }
0xbe: {  	[dreg:$0x1] =	wrdreg $0xFFFFFFFF  }
0xbf: {  	_ =	task.clear_ibuf [dreg:s5], $0x2FFFF;
	_ =	strace $0x9FFFFFFF  }
0xc0: {  	(tm) =	ssettm $0x7FFFFFFF  }
0xc1: {  	_ =	shalt  }
tec
execute0_lowered:
.L_overlay_start_1:
0x0: {  	(tag) =	ssettag $0x1  }
0x1: {  	s0 =	stileid.u32;
	s3 =	simm.s32 $0x200;
	s5 =	rddreg [dreg:$0x1]  }
0x2: {  	s10 =	simm.s32 $0x1;
	s1 =	smin.u32 s0, $0x4;
	p0 =	slt.u32 s0, $0x4  }
0x3: {  	s6 =	simm.s32 $0x2;
	s2 =	sshll.u32 s1, $0x9;
	s3 =	simm.s32 @!p0 $0x0  }
0x4: {  	s11 =	simm.s32 $0x4;
	s12 =	simm.s32 $0xFFFFF800;
	s1 =	sadd.s32 s3, s2  }
0x5: {  	s13 =	simm.s32 $0xFFFFFE00;
	s14 =	simm.s32 $0xFFFFFFFF;
	s4 =	smin.u32 s1, $0x7D0  }
0x6: {  	s18 =	simm.s32 $0x0;
	s15 =	simm.s32 $0x0;
	s9 =	ssub.s32 s4, s2  }
0x7: {  	s17 =	simm.s32 $0x0;
	s3 =	rddreg [dreg:$0x0];
	p0 =	sgt.s32 s9, $0x0  }
0x8: {  	s1 =	rddreg [dreg:$0x2];
	_ =	strace $0x8000004A;
	s9 =	simm.s32 @!p0 $0x0  }
.Ltmp0:
0x9: {  	[sflag:s10] =	ssyncpa.u1 $0x0;
	s8 =	sand.u32 $0x1D0, s9;
	(pc) =	sbr.rel .LBB2_1-.Ltmp0, $4  }
0xa: {  	s16 =	smov.u32 s2;
	[sflag:s6] =	ssyncpa.u1 $0x0;
	p0 =	sne.s32 s8, $0x0  }
0xb: {  	s9 =	sshrl.u32 s9, $0x9;
	s8 =	simm.s32 $0x3;
	s10 =	simm.s32 @!p0 $0x0  }
0xc: {  	s7 =	sadd.s32 $0xFC00, s3;
	[sflag:s8] =	ssyncpa.u1 $0x0;
	s9 =	sadd.s32 s10, s9  }
0xd: {  	v0 =	vlaneseq.u32;
	vm0 =	vmmov $0xffff;
	[sflag:s11] =	ssyncpa.u1 $0x0;
	s11 =	simm.s32 $0x0;
	s10 =	sadd.s32 $0x2, s9  }
.LBB2_7:
0xe: {  	p0 =	slt.u32 s17, $0x3  }
0xf: {  	s18 =	simm.s32 @!p0 $0x4  }
0x10: {  	_ =	swait.ge @!p0 [sflag:s18], $0x80  }
0x11: {  	s19 =	sadd.s32 $0x200, s16;
	[sflag:s18] =	ssyncset.done @!p0 $0x0  }
0x12: {  	s20 =	smov.u32 s2;
	[sflag:s18] =	ssyncadd.s32 @!p0 $0xFFFFFF80;
	p0 =	slt.s32 s19, s4  }
0x13: {  	s20 =	smov.u32 @p0 s19;
	p0 =	sne.s32 s17, s10  }
.Ltmp1:
0x14: {  	_ = 	snop;
	(pc) =	sbr.rel @!p0 .LBB2_8-.Ltmp1, $4  }
0x15: {  	_ = 	snop  }
0x16: {  	s31 =	sadd.s32 $0x1, s17;
	s12 =	sadd.s32 $0x800, s12  }
0x17: {  	s13 =	sadd.s32 $0x200, s13;
	s14 =	sadd.s32 $0x1, s14;
	s18 =	smov.u32 s15  }
0x18: {  	s15 =	smov.u32 s16;
	s17 =	smov.u32 s31;
	s16 =	smov.u32 s20  }
.LBB2_1:
0x19: {  	p0 =	sge.u32 s17, s9  }
0x1a: {  	s19 =	smulhi.u32 @!p0 $0xAAAAAAAB, s17;
	_ =	sdelay $0x1  }
0x1b: {  	s19 =	sshrl.u32 @!p0 s19, $0x1  }
0x1c: {  	s19 =	smul.u32 @!p0 $0x3, s19;
	_ =	sdelay $0x1  }
0x1d: {  	s31 =	sadd.s32 $0xFFFFFFFF, s17;
	s20 =	sshrl.u32 @!p0 s16, $0x3;
	s19 =	ssub.s32 @!p0 s17, s19  }
0x1e: {  	s21 =	sand.u32 @!p0 $0x7, s16;
	s20 =	sadd.s32 @!p0 s5, s20;
	s19 =	sshll.u32 @!p0 s19, $0x9  }
0x1f: {  	[tilespmem:s19], [sflag:$0x2] =	stream.linear.gather @!p0 [hbm4b:s20+s21], $0x200, $0x38;
	[tilespmem:$0xB00] =	vst v63  }
0x20: {  	p0 =	sge.u32 s31, s9  }
.Ltmp2:
0x21: {  	_ = 	snop;
	(pc) =	sbr.rel @p0 .LBB2_5-.Ltmp2, $1  }
0x22: {  	_ =	sdelay $0x3  }
0x23: {  	s19 =	smulhi.u32 $0xAAAAAAAB, s14;
	_ =	sdelay $0x1  }
0x24: {  	s19 =	sshrl.u32 s19, $0x1  }
0x25: {  	s19 =	smul.u32 $0xFFFFE800, s19  }
0x26: {  	_ =	swait.ge [sflag:s6], $0x200;
	s20 =	ssub.s32 $0x7D0, s15  }
0x27: {  	[sflag:s6] =	ssyncset.done $0x0;
	p0 =	slt.s32 s20, $0x200;
	s19 =	sshra.s32 s19, $0x2  }
0x28: {  	[sflag:s6] =	ssyncadd.s32 $0xFFFFFE00;
	s20 =	simm.s32 @!p0 $0x200;
	s21 =	sadd.s32 s19, s13  }
0x29: {  	(ifvalue) =	ssetifvalue $0x7FFFFFFF;
	p0 =	sgt.s32 s20, $0x0;
	s19 =	sadd.s32 $0xFFFFFFF0, s20;
	v1 =	vld.msk [tilespmem:s21+$0x0 ss:$0x1], $0xffff  }
0x2a: {  	s20 =	simm.s32 @!p0 $0x0;
	p0 =	sgt.s32 s19, $0x0  }
0x2b: {  	s22 =	sadd.s32 $0xFFFFFFF0, s19;
	s20 =	smin.u32 s20, $0x10;
	s19 =	simm.s32 @!p0 $0x0  }
0x2c: {  	v2 =	vmov s20;
	s19 =	smin.u32 s19, $0x10  }
0x2d: {  	s24 =	sadd.s32 $0x10, s21;
	vm1 =	vgt.u32 v2, v0;
	v2 =	vmov s19  }
0x2e: {  	v3 =	vld.msk [tilespmem:s24+$0x0 ss:$0x1], $0xffff;
	vm1 =	vmmov vm1;
	vm2 =	vgt.u32 v2, v0;
	v2 =	vshll.u32 v1, $0x1  }
0x2f: {  	p0 =	sgt.s32 s22, $0x0;
	s19 =	smov.u32 s22;
	v4 =	vand.u32 $0x1, v1;
	vm3 =	veq.s32 v1, $0x80000000;
	v1 =	vand.u32 $0x1FFC, v2  }
0x30: {  	s19 =	simm.s32 @!p0 $0x0;
	vm1 =	vmmov vm1;
	v2 =	vsel vm3, $0xFFFFFFFF, v4;
	v1 =	vsel vm3, $0xFFFFFFFC, v1  }
0x31: {  	s19 =	smin.u32 s19, $0x10;
	vm2 =	vmmov vm2;
	v4 =	vand.u32 $0xFFFFE000, v2;
	v5 =	vand.u32 $0xFFFFFE00, v1  }
0x32: {  	s25 =	sadd.s32 $0xFFFFFFF0, s22;
	v6 =	vmov s19;
	v1 =	vand.u32 $0x1FC, v1;
	v4 =	vadd.s32 v4, v5  }
0x33: {  	s23 =	smov.u32 s25;
	p0 =	sgt.s32 s25, $0x0;
	vm4 =	veq.s32 v3, $0x80000000;
	v2 =	vand.u32 $0x3, v2;
	v1 =	vor.u32 v1, v4  }
0x34: {  	s23 =	simm.s32 @!p0 $0x0;
	s19 =	sadd.s32 $0x10, s24;
	vm3 =	vgt.u32 v6, v0;
	v5 =	vshll.u32 v3, $0x1;
	v1 =	vshrl.u32 v1, $0x2  }
0x35: {  	s31 =	smin.u32 s23, $0x10;
	s20 =	sadd.s32 $0x10, s19;
	v4 =	vand.u32 $0x1, v3;
	v3 =	vand.u32 $0x1FFC, v5;
	v1 =	vnsel vm1, $0x7FFFFFFF, v1  }
0x36: {  	s29 =	sshrl.u32 s12, $0x2;
	v8 =	vmov s31;
	[tilespmem:s21+$0x0] =	vst v2;
	v2 =	vld.msk [tilespmem:s20+$0x0 ss:$0x1], $0xffff;
	v4 =	vsel vm4, $0xFFFFFFFF, v4;
	v5 =	vsel vm4, $0xFFFFFFFC, v3  }
0x37: {  	s30 =	sand.u32 $0x200, s29;
	vm3 =	vmmov vm3;
	v3 =	vld.msk [tilespmem:s19+$0x0 ss:$0x1], $0xffff;
	v6 =	vand.u32 $0xFFFFE000, v4;
	v7 =	vand.u32 $0xFFFFFE00, v5  }
0x38: {  	s22 =	sadd.s32 $0x600, s30;
	s25 =	sadd.s32 $0xFFFFFFF0, s25;
	s23 =	simm.s32 $0x30;
	v4 =	vand.u32 $0x3, v4;
	v5 =	vand.u32 $0x1FC, v5;
	v6 =	vadd.s32 v6, v7  }
0x39: {  	s21 =	sadd.s32 $0x10, s22;
	vm1 =	vmmov vm2;
	vm2 =	vgt.u32 v8, v0;
	[tilespmem:s24+$0x0] =	vst v4;
	s24 =	sadd.s32 $0x10, s20;
	(ifvalue) =	ssetifvalue $0x7FFFFFFF;
	v4 =	vor.u32 v5, v6  }
.LBB2_3:
0x3a: {  	[tilespmem:s22], [sflag:$0x3] =	stream.indirect_vreg.gather [hbm4b:s3+s11], $0x1, v1, vm0, $0x4038;
	[tilespmem:$0xB00] =	vst v63  }
0x3b: {  	p0 =	sgt.s32 s25, $0x0;
	s23 =	sadd.s32 $0x10, s23;
	s26 =	smov.u32 s25  }
0x3c: {  	v5 =	vand.u32 $0x1, v3;
	v6 =	vshll.u32 v3, $0x1;
	v4 =	vshrl.u32 v4, $0x2;
	v7 =	vmovc v2;
	v2 =	vld.msk [tilespmem:s24+$0x0 ss:$0x1], $0xffff;
	s26 =	simm.s32 @!p0 $0x0;
	p0 =	slt.u32 s23, $0x1F0  }
.Ltmp3:
0x3d: {  	vm4 =	veq.s32 v3, $0x80000000;
	v6 =	vand.u32 $0x1FFC, v6;
	v1 =	vnsel vm1, $0x7FFFFFFF, v4;
	v3 =	vmovc v7;
	(pc) =	sbr.rel @p0 .LBB2_3-.Ltmp3, $4  }
0x3e: {  	s22 =	smov.u32 s21;
	v4 =	vsel vm4, $0xFFFFFFFF, v5;
	vm1 =	vmmov vm3;
	v5 =	vsel vm4, $0xFFFFFFFC, v6  }
0x3f: {  	s28 =	smov.u32 s19;
	s19 =	smov.u32 s20;
	s26 =	smin.u32 s26, $0x10;
	v6 =	vand.u32 $0xFFFFE000, v4;
	v7 =	vand.u32 $0xFFFFFE00, v5;
	v5 =	vand.u32 $0x1FC, v5  }
0x40: {  	s21 =	sadd.s32 $0x10, s21;
	s20 =	smov.u32 s24;
	v9 =	vand.u32 $0x3, v4;
	v8 =	vmov s26;
	v4 =	vadd.s32 v6, v7  }
0x41: {  	s24 =	sadd.s32 $0x10, s24;
	s25 =	sadd.s32 $0xFFFFFFF0, s25;
	vm3 =	vmmov vm2;
	vm2 =	vgt.u32 v8, v0;
	v4 =	vor.u32 v5, v4;
	[tilespmem:s28+$0x0] =	vst v9;
	(ifvalue) =	ssetifvalue $0x7FFFFFFF  }
0x42: {  	v5 =	vshll.u32 v3, $0x1  }
0x43: {  	v6 =	vand.u32 $0x1, v3;
	vm4 =	veq.s32 v3, $0x80000000;
	v4 =	vshrl.u32 v4, $0x2  }
0x44: {  	v60 =	vshll.u32 v2, $0x1;
	v8 =	vand.u32 $0x1, v2;
	vm15 =	veq.s32 v2, $0x80000000  }
0x45: {  	v3 =	vand.u32 $0x1FFC, v5;
	v59 =	vsel vm4, $0xFFFFFFFF, v6;
	v2 =	vand.u32 $0x1FFC, v60  }
0x46: {  	v61 =	vsel vm15, $0xFFFFFFFF, v8;
	v4 =	vnsel vm1, $0x7FFFFFFF, v4;
	v3 =	vsel vm4, $0xFFFFFFFC, v3  }
0x47: {  	vm1 =	vmmov vm3;
	v6 =	vand.u32 $0xFFFFE000, v59;
	v7 =	vand.u32 $0xFFFFFE00, v3  }
0x48: {  	v2 =	vsel vm15, $0xFFFFFFFC, v2;
	v3 =	vand.u32 $0x1FC, v3;
	v6 =	vadd.s32 v6, v7  }
0x49: {  	v62 =	vand.u32 $0xFFFFE000, v61;
	v63 =	vand.u32 $0xFFFFFE00, v2;
	v3 =	vor.u32 v3, v6  }
0x4a: {  	v2 =	vand.u32 $0x1FC, v2;
	v6 =	vadd.s32 v62, v63;
	v3 =	vshrl.u32 v3, $0x2  }
0x4b: {  	vm2 =	vmmov vm2;
	v2 =	vor.u32 v2, v6;
	v3 =	vnsel vm1, $0x7FFFFFFF, v3  }
0x4c: {  	[tilespmem:s22], [sflag:$0x3] =	stream.indirect_vreg.gather [hbm4b:s3+s11], $0x1, v1, vm0, $0x4038;
	v5 =	vand.u32 $0x3, v59;
	vm1 =	vmmov vm2;
	v1 =	vshrl.u32 v2, $0x2;
	[tilespmem:$0xB00] =	vst v63  }
0x4d: {  	[tilespmem:s19+$0x0] =	vst v5;
	(ifvalue) =	ssetifvalue $0x7FFFFFFF;
	v1 =	vnsel vm1, $0x7FFFFFFF, v1  }
0x4e: {  	[tilespmem:s21], [sflag:$0x3] =	stream.indirect_vreg.gather [hbm4b:s3+s11], $0x1, v4, vm0, $0x4038;
	v2 =	vand.u32 $0x3, v61;
	[tilespmem:$0xB00] =	vst v63  }
0x4f: {  	s31 =	sadd.s32 $0x10, s21;
	[tilespmem:s20+$0x0] =	vst v2;
	(ifvalue) =	ssetifvalue $0x7FFFFFFF  }
0x50: {  	[tilespmem:s31], [sflag:$0x3] =	stream.indirect_vreg.gather [hbm4b:s3+s11], $0x1, v3, vm0, $0x4038;
	[tilespmem:$0xB00] =	vst v63  }
0x51: {  	s19 =	sadd.s32 $0x10, s31;
	(ifvalue) =	ssetifvalue $0x7FFFFFFF  }
0x52: {  	[tilespmem:s19], [sflag:$0x3] =	stream.indirect_vreg.gather [hbm4b:s3+s11], $0x1, v1, vm0, $0x4038;
	[tilespmem:$0xB00] =	vst v63  }
.LBB2_5:
0x53: {  	p0 =	slt.u32 s17, $0x2  }
0x54: {  	p1 =	sge.u32 @!p0 s17, s10  }
0x55: {  	p0 =	por p0, p1  }
.Ltmp4:
0x56: {  	_ = 	snop;
	(pc) =	sbr.rel @p0 .LBB2_7-.Ltmp4, $1  }
0x57: {  	_ =	sdelay $0x3  }
0x58: {  	s19 =	sadd.s32 $0xFFFFFFFE, s17  }
0x59: {  	s20 =	smulhi.u32 $0xAAAAAAAB, s19  }
0x5a: {  	_ =	swait.ge [sflag:s8], $0x200  }
0x5b: {  	s21 =	sand.u32 $0x1, s17;
	[sflag:s8] =	ssyncset.done $0x0;
	s20 =	sshrl.u32 s20, $0x1  }
0x5c: {  	s28 =	sshll.u32 s21, $0x9;
	[sflag:s8] =	ssyncadd.s32 $0xFFFFFE00;
	s20 =	smul.u32 $0x3, s20  }
0x5d: {  	v1 =	vld [tilespmem:s28+$0x600]  }
0x5e: {  	v3 =	vld [tilespmem:s28+$0x680];
	s20 =	ssub.s32 s19, s20  }
0x5f: {  	v6 =	vld [tilespmem:s28+$0x700];
	s20 =	sshll.u32 s20, $0x9  }
0x60: {  	v2 =	vld [tilespmem:s20+$0x0]  }
0x61: {  	v4 =	vld [tilespmem:s20+$0x80]  }
0x62: {  	v5 =	vld [tilespmem:s20+$0x100]  }
0x63: {  	v7 =	vld [tilespmem:s20+$0x180];
	_ =	sdelay $0x1  }
0x64: {  	v8 =	vld [tilespmem:s28+$0x780]  }
0x65: {  	v2 =	vshll.u32 v2, $0x3;
	v4 =	vshll.u32 v4, $0x3  }
0x66: {  	v1 =	vshrl.u32 v1, v2;
	v2 =	vshrl.u32 v3, v4;
	v3 =	vshll.u32 v5, $0x3  }
0x67: {  	v21 =	vshll.u32 v7, $0x3;
	v2 =	vshll.u32 v2, $0x8;
	v3 =	vshrl.u32 v6, v3  }
0x68: {  	v1 =	vand.u32 $0xFF, v1;
	v2 =	vand.u32 $0xFF00, v2;
	v3 =	vshll.u32 v3, $0x10  }
0x69: {  	v1 =	vor.u32 v1, v2;
	v2 =	vand.u32 $0xFF0000, v3;
	v3 =	vshrl.u32 v8, v21  }
0x6a: {  	v1 =	vor.u32 v2, v1;
	v2 =	vshll.u32 v3, $0x18  }
0x6b: {  	s21 =	sshll.u32 s21, $0x7;
	v1 =	vor.u32 v2, v1  }
0x6c: {  	[tilespmem:s21+$0xA00] =	vst v1  }
0x6d: {  	v1 =	vld [tilespmem:s28+$0x610]  }
0x6e: {  	v2 =	vld [tilespmem:s20+$0x10]  }
0x6f: {  	v3 =	vld [tilespmem:s28+$0x690]  }
0x70: {  	v22 =	vld [tilespmem:s20+$0x90]  }
0x71: {  	v23 =	vld [tilespmem:s20+$0x110]  }
0x72: {  	v24 =	vld [tilespmem:s28+$0x710]  }
0x73: {  	v25 =	vld [tilespmem:s20+$0x190];
	_ =	sdelay $0x1  }
0x74: {  	v26 =	vld [tilespmem:s28+$0x790]  }
0x75: {  	v2 =	vshll.u32 v2, $0x3;
	v4 =	vshll.u32 v22, $0x3  }
0x76: {  	v1 =	vshrl.u32 v1, v2;
	v2 =	vshrl.u32 v3, v4;
	v3 =	vshll.u32 v23, $0x3  }
0x77: {  	v27 =	vshll.u32 v25, $0x3;
	v2 =	vshll.u32 v2, $0x8;
	v3 =	vshrl.u32 v24, v3  }
0x78: {  	v1 =	vand.u32 $0xFF, v1;
	v2 =	vand.u32 $0xFF00, v2;
	v3 =	vshll.u32 v3, $0x10  }
0x79: {  	v1 =	vor.u32 v1, v2;
	v2 =	vand.u32 $0xFF0000, v3;
	v3 =	vshrl.u32 v26, v27  }
0x7a: {  	v1 =	vor.u32 v2, v1;
	v2 =	vshll.u32 v3, $0x18  }
0x7b: {  	v1 =	vor.u32 v2, v1  }
0x7c: {  	[tilespmem:s21+$0xA10] =	vst v1  }
0x7d: {  	v1 =	vld [tilespmem:s28+$0x620]  }
0x7e: {  	v2 =	vld [tilespmem:s20+$0x20]  }
0x7f: {  	v3 =	vld [tilespmem:s28+$0x6A0]  }
0x80: {  	v28 =	vld [tilespmem:s20+$0xA0]  }
0x81: {  	v29 =	vld [tilespmem:s20+$0x120]  }
0x82: {  	v30 =	vld [tilespmem:s28+$0x720]  }
0x83: {  	v31 =	vld [tilespmem:s20+$0x1A0];
	_ =	sdelay $0x1  }
0x84: {  	v32 =	vld [tilespmem:s28+$0x7A0]  }
0x85: {  	v2 =	vshll.u32 v2, $0x3;
	v4 =	vshll.u32 v28, $0x3  }
0x86: {  	v1 =	vshrl.u32 v1, v2;
	v2 =	vshrl.u32 v3, v4;
	v3 =	vshll.u32 v29, $0x3  }
0x87: {  	v33 =	vshll.u32 v31, $0x3;
	v2 =	vshll.u32 v2, $0x8;
	v3 =	vshrl.u32 v30, v3  }
0x88: {  	v1 =	vand.u32 $0xFF, v1;
	v2 =	vand.u32 $0xFF00, v2;
	v3 =	vshll.u32 v3, $0x10  }
0x89: {  	v1 =	vor.u32 v1, v2;
	v2 =	vand.u32 $0xFF0000, v3;
	v3 =	vshrl.u32 v32, v33  }
0x8a: {  	v1 =	vor.u32 v2, v1;
	v2 =	vshll.u32 v3, $0x18  }
0x8b: {  	v1 =	vor.u32 v2, v1  }
0x8c: {  	[tilespmem:s21+$0xA20] =	vst v1  }
0x8d: {  	v1 =	vld [tilespmem:s28+$0x630]  }
0x8e: {  	v2 =	vld [tilespmem:s20+$0x30]  }
0x8f: {  	v3 =	vld [tilespmem:s28+$0x6B0]  }
0x90: {  	v34 =	vld [tilespmem:s20+$0xB0]  }
0x91: {  	v35 =	vld [tilespmem:s20+$0x130]  }
0x92: {  	v36 =	vld [tilespmem:s28+$0x730]  }
0x93: {  	v37 =	vld [tilespmem:s20+$0x1B0];
	_ =	sdelay $0x1  }
0x94: {  	v38 =	vld [tilespmem:s28+$0x7B0]  }
0x95: {  	v2 =	vshll.u32 v2, $0x3;
	v4 =	vshll.u32 v34, $0x3  }
0x96: {  	v1 =	vshrl.u32 v1, v2;
	v2 =	vshrl.u32 v3, v4;
	v3 =	vshll.u32 v35, $0x3  }
0x97: {  	v39 =	vshll.u32 v37, $0x3;
	v2 =	vshll.u32 v2, $0x8;
	v3 =	vshrl.u32 v36, v3  }
0x98: {  	v1 =	vand.u32 $0xFF, v1;
	v2 =	vand.u32 $0xFF00, v2;
	v3 =	vshll.u32 v3, $0x10  }
0x99: {  	v1 =	vor.u32 v1, v2;
	v2 =	vand.u32 $0xFF0000, v3;
	v3 =	vshrl.u32 v38, v39  }
0x9a: {  	v1 =	vor.u32 v2, v1;
	v2 =	vshll.u32 v3, $0x18  }
0x9b: {  	v1 =	vor.u32 v2, v1  }
0x9c: {  	[tilespmem:s21+$0xA30] =	vst v1  }
0x9d: {  	v1 =	vld [tilespmem:s28+$0x640]  }
0x9e: {  	v2 =	vld [tilespmem:s20+$0x40]  }
0x9f: {  	v3 =	vld [tilespmem:s28+$0x6C0]  }
0xa0: {  	v40 =	vld [tilespmem:s20+$0xC0]  }
0xa1: {  	v41 =	vld [tilespmem:s20+$0x140]  }
0xa2: {  	v42 =	vld [tilespmem:s28+$0x740]  }
0xa3: {  	v43 =	vld [tilespmem:s20+$0x1C0];
	_ =	sdelay $0x1  }
0xa4: {  	v44 =	vld [tilespmem:s28+$0x7C0]  }
0xa5: {  	v2 =	vshll.u32 v2, $0x3;
	v4 =	vshll.u32 v40, $0x3  }
0xa6: {  	v1 =	vshrl.u32 v1, v2;
	v2 =	vshrl.u32 v3, v4;
	v3 =	vshll.u32 v41, $0x3  }
0xa7: {  	v45 =	vshll.u32 v43, $0x3;
	v2 =	vshll.u32 v2, $0x8;
	v3 =	vshrl.u32 v42, v3  }
0xa8: {  	v1 =	vand.u32 $0xFF, v1;
	v2 =	vand.u32 $0xFF00, v2;
	v3 =	vshll.u32 v3, $0x10  }
0xa9: {  	v1 =	vor.u32 v1, v2;
	v2 =	vand.u32 $0xFF0000, v3;
	v3 =	vshrl.u32 v44, v45  }
0xaa: {  	v1 =	vor.u32 v2, v1;
	v2 =	vshll.u32 v3, $0x18  }
0xab: {  	v1 =	vor.u32 v2, v1  }
0xac: {  	[tilespmem:s21+$0xA40] =	vst v1  }
0xad: {  	v1 =	vld [tilespmem:s28+$0x650]  }
0xae: {  	v2 =	vld [tilespmem:s20+$0x50]  }
0xaf: {  	v3 =	vld [tilespmem:s28+$0x6D0]  }
0xb0: {  	v46 =	vld [tilespmem:s20+$0xD0]  }
0xb1: {  	v47 =	vld [tilespmem:s20+$0x150]  }
0xb2: {  	v48 =	vld [tilespmem:s28+$0x750]  }
0xb3: {  	v49 =	vld [tilespmem:s20+$0x1D0];
	_ =	sdelay $0x1  }
0xb4: {  	v50 =	vld [tilespmem:s28+$0x7D0]  }
0xb5: {  	v2 =	vshll.u32 v2, $0x3;
	v4 =	vshll.u32 v46, $0x3  }
0xb6: {  	v1 =	vshrl.u32 v1, v2;
	v2 =	vshrl.u32 v3, v4;
	v3 =	vshll.u32 v47, $0x3  }
0xb7: {  	v51 =	vshll.u32 v49, $0x3;
	v2 =	vshll.u32 v2, $0x8;
	v3 =	vshrl.u32 v48, v3  }
0xb8: {  	v1 =	vand.u32 $0xFF, v1;
	v2 =	vand.u32 $0xFF00, v2;
	v3 =	vshll.u32 v3, $0x10  }
0xb9: {  	v1 =	vor.u32 v1, v2;
	v2 =	vand.u32 $0xFF0000, v3;
	v3 =	vshrl.u32 v50, v51  }
0xba: {  	v1 =	vor.u32 v2, v1;
	v2 =	vshll.u32 v3, $0x18  }
0xbb: {  	v1 =	vor.u32 v2, v1  }
0xbc: {  	[tilespmem:s21+$0xA50] =	vst v1  }
0xbd: {  	v1 =	vld [tilespmem:s28+$0x660]  }
0xbe: {  	v2 =	vld [tilespmem:s20+$0x60]  }
0xbf: {  	v3 =	vld [tilespmem:s28+$0x6E0]  }
0xc0: {  	v52 =	vld [tilespmem:s20+$0xE0]  }
0xc1: {  	v53 =	vld [tilespmem:s20+$0x160]  }
0xc2: {  	v54 =	vld [tilespmem:s28+$0x760]  }
0xc3: {  	v55 =	vld [tilespmem:s20+$0x1E0];
	_ =	sdelay $0x1  }
0xc4: {  	v56 =	vld [tilespmem:s28+$0x7E0]  }
0xc5: {  	v2 =	vshll.u32 v2, $0x3;
	v4 =	vshll.u32 v52, $0x3  }
0xc6: {  	v1 =	vshrl.u32 v1, v2;
	v2 =	vshrl.u32 v3, v4;
	v3 =	vshll.u32 v53, $0x3  }
0xc7: {  	v57 =	vshll.u32 v55, $0x3;
	v2 =	vshll.u32 v2, $0x8;
	v3 =	vshrl.u32 v54, v3  }
0xc8: {  	v1 =	vand.u32 $0xFF, v1;
	v2 =	vand.u32 $0xFF00, v2;
	v3 =	vshll.u32 v3, $0x10  }
0xc9: {  	v1 =	vor.u32 v1, v2;
	v2 =	vand.u32 $0xFF0000, v3;
	v3 =	vshrl.u32 v56, v57  }
0xca: {  	v1 =	vor.u32 v2, v1;
	v2 =	vshll.u32 v3, $0x18  }
0xcb: {  	v1 =	vor.u32 v2, v1  }
0xcc: {  	[tilespmem:s21+$0xA60] =	vst v1  }
0xcd: {  	v1 =	vld [tilespmem:s28+$0x670]  }
0xce: {  	v2 =	vld [tilespmem:s20+$0x70]  }
0xcf: {  	v3 =	vld [tilespmem:s28+$0x6F0]  }
0xd0: {  	v58 =	vld [tilespmem:s20+$0xF0]  }
0xd1: {  	v59 =	vld [tilespmem:s20+$0x170]  }
0xd2: {  	v60 =	vld [tilespmem:s28+$0x770]  }
0xd3: {  	v61 =	vld [tilespmem:s20+$0x1F0];
	_ =	sdelay $0x1  }
0xd4: {  	v62 =	vld [tilespmem:s28+$0x7F0]  }
0xd5: {  	v2 =	vshll.u32 v2, $0x3;
	v4 =	vshll.u32 v58, $0x3  }
0xd6: {  	v1 =	vshrl.u32 v1, v2;
	v2 =	vshrl.u32 v3, v4;
	v3 =	vshll.u32 v59, $0x3  }
0xd7: {  	v63 =	vshll.u32 v61, $0x3;
	v3 =	vshrl.u32 v60, v3;
	v2 =	vshll.u32 v2, $0x8  }
0xd8: {  	v1 =	vand.u32 $0xFF, v1;
	v2 =	vand.u32 $0xFF00, v2;
	v3 =	vshll.u32 v3, $0x10  }
.Ltmp5:
0xd9: {  	v1 =	vor.u32 v1, v2;
	v2 =	vshrl.u32 v62, v63;
	v3 =	vand.u32 $0xFF0000, v3;
	(pc) =	sbr.rel .LBB2_7-.Ltmp5, $4  }
0xda: {  	v1 =	vor.u32 v3, v1;
	v2 =	vshll.u32 v2, $0x18  }
0xdb: {  	s29 =	sshrl.u32 s18, $0x2;
	s30 =	sshrl.u32 s18, $0x5;
	v1 =	vor.u32 v2, v1  }
0xdc: {  	s18 =	sadd.s32 s30, s7;
	s31 =	sor.u32 $0xA00, s21;
	s19 =	sand.u32 $0x7, s29;
	[tilespmem:s21+$0xA70] =	vst v1  }
0xdd: {  	[hbm4b:s18+s19] =	stream.linear.scatter [tilespmem:s31], [sflag:$0x4], $0x80, $0x38;
	[tilespmem:$0xB00] =	vst v63  }
.LBB2_8:
0xde: {  	_ =	sfence.sel $0x180000  }
0xdf: {  	s2 =	simm.s32 $0x2;
	[bflag:$0x0] =	sbarrier.arrive $0xFFFF  }
0xe0: {  	s29 =	simm.s32 $0x3;
	[sflag:s2] =	ssyncpa.u1 $0x1  }
0xe1: {  	s30 =	simm.s32 $0x4;
	[sflag:s29] =	ssyncpa.u1 $0x1  }
0xe2: {  	s31 =	simm.s32 $0x1;
	[sflag:s30] =	ssyncpa.u1 $0x1  }
0xe3: {  	[sflag:s31] =	ssyncpa.u1 $0x1  }
0xe4: {  	p0 =	sne.s32 s0, $0x0;
	_ =	strace $0x9000004A  }
0xe5: {  	s0 =	sadd.s32 @!p0 $0x100000, s1;
	[bflag:$0x2] =	sbarrier.arrive $0xFFFF  }
0xe6: {  	[sflag:s0] =	ssyncadd.tile.s32 @!p0 $0x1;
	_ =	shalt  }
.Lfunc_end2:
_tile_overlayer_lowered:
.L_overlay_start_2:
0xe7: {  	(tag) =	ssettag $0x2  }
0xe8: {  	s0 =	rddreg [dreg:$0x0];
	s2 =	stileid.u32  }
0xe9: {  	s1 =	rddreg [dreg:$0x1];
	p0 =	sne.s32 s2, $0x0  }
0xea: {  	s3 =	rddreg [dreg:$0x2];
	[bflag:$0x3] =	sbarrier.arrive $0xFFFF;
	s2 =	simm.s32 @!p0 $0x1C01  }
0xeb: {  	[timem:s3], [sflag:s2] =	dma.local @!p0 [hbm:s0], s1  }
0xec: {  	s0 =	simm.s32 @!p0 $0x1  }
0xed: {  	_ =	swait.ge @!p0 [sflag:s0], s1  }
0xee: {  	s1 =	ssub.s32 @!p0 $0x0, s1;
	[sflag:s0] =	ssyncset.done @!p0 $0x0  }
0xef: {  	[sflag:s0] =	ssyncadd.s32 @!p0 s1  }
0xf0: {  	[bflag:$0x3] =	sbarrier.arrive $0xFFFF  }
0xf1: {  	_ =	shalt  }

// kernel: gather_offload_async_start.3
scs
__scs_entry_jumppad:
0x0: {  	(pc) =	sbr.rel $0x88, $3  }
0x1: {  	(tag) =	ssettag $0x0;
	lr =	simm.s32 $0x1  }
0x2: {  	[smem:$0x3F9F] =	sst lr;
	_ =	strace $0xD0000000  }
0x3: {  	_ = 	snop  }
0x4: {  	_ = 	snop  }
0x5: {  	_ = 	snop  }
0x6: {  	_ = 	snop  }
0x7: {  	_ = 	snop  }
__scs_overlays_trampoline_lowered:
0x8: {  	[smem:$0x3FAE] =	sst s0  }
0x9: {  	[smem:$0x3FAF] =	sst s1  }
0xa: {  	[smem:$0x3FB0] =	sst s2  }
0xb: {  	[smem:$0x3FB1] =	sst s3  }
0xc: {  	[smem:$0x3FB2] =	sst s4  }
0xd: {  	[smem:$0x3FB3] =	sst s5  }
0xe: {  	[smem:$0x3FB4] =	sst s6  }
0xf: {  	[smem:$0x3FB5] =	sst s7  }
0x10: {  	[smem:$0x3FB6] =	sst s8  }
0x11: {  	[smem:$0x3FB7] =	sst s9;
	s0 =	simm.s32 @!p0 $0x0  }
0x12: {  	s1 =	sld [smem:$0x3F9D];
	s0 =	simm.s32 @p0 $0x1  }
0x13: {  	[smem:$0x3FB8] =	sst s0;
	s0 =	simm.s32 @!p1 $0x0  }
0x14: {  	s2 =	sld [smem:$0x3F9C];
	s0 =	simm.s32 @p1 $0x1  }
0x15: {  	[smem:$0x3FB9] =	sst s0;
	s0 =	simm.s32 @!p2 $0x0  }
0x16: {  	s3 =	sld [smem:$0x3FDB];
	s0 =	simm.s32 @p2 $0x1  }
0x17: {  	s4 =	simm.s32 $0x1BF5;
	[smem:$0x3FBB] =	sst s0  }
0x18: {  	s0 =	sld [smem:$0x3F9E];
	_ =	swait.ge [sflag:s4], $0x0  }
0x19: {  	s7 =	sld [smem:$0x3F9F]  }
0x1a: {  	s8 =	sadd.s32 $0xFFFFE003, lr  }
0x1b: {  	s9 =	sadd.s32 $0xFFFFFEF7, lr;
	s5 =	simm.s32 $0xFFFFFFFF;
	p2 =	slt.u32 s8, $0xFFFFF086  }
0x1c: {  	p1 =	slt.u32 s9, $0xF7A;
	s5 =	simm.s32 @!p2 $0x0  }
0x1d: {  	s5 =	simm.s32 @p1 $0x1;
	p0 =	seq.s32 s7, s2  }
0x1e: {  	s7 =	smul.u32 @!p0 $0xF7A, s2;
	p2 =	seq.s32 @!p0 s5, $0x0  }
0x1f: {  	s9 =	smul.u32 $0xF7A, s1;
	s8 =	simm.s32 @!p0 $0x1BF5;
	p2 =	por !p2, p0  }
0x20: {  	[sflag:s8] =	ssyncset.s32 @!p0 $0xFFFFF086;
	s6 =	sadd.s32 @!p0 s3, s7;
	s7 =	simm.s32 @!p0 $0x108  }
0x21: {  	s3 =	sadd.s32 s3, s9;
	s6 =	sadd.s32 @!p0 $0x88, s6;
	s7 =	simm.s32 @p2 $0x1082  }
0x22: {  	[simem:s7], [sflag:s8] =	dma.local @!p0 [hbm:s6], $0xF7A  }
0x23: {  	s9 =	sor.u32 $0xD0000000, s2;
	s6 =	simm.s32 $0x108;
	_ =	swait.ge @!p0 [sflag:s8], $0x0  }
0x24: {  	s3 =	sadd.s32 $0x88, s3;
	s6 =	simm.s32 @!p1 $0x1082;
	[sflag:s4] =	ssyncset.s32 $0xFFFFF086  }
0x25: {  	[simem:s6], [sflag:s4] =	dma.local [hbm:s3], $0xF7A  }
0x26: {  	[smem:$0x3F9F] =	sst s1;
	(tag) =	ssettag s2;
	_ =	strace s9  }
0x27: {  	s1 =	sld [smem:$0x3FAF]  }
0x28: {  	s2 =	sld [smem:$0x3FB0]  }
0x29: {  	s4 =	sld [smem:$0x3FB2]  }
0x2a: {  	p0 =	seq.s32 s5, $0x0;
	s5 =	sld [smem:$0x3FB3]  }
0x2b: {  	s6 =	sld [smem:$0x3FB4]  }
0x2c: {  	s7 =	sld [smem:$0x3FB5]  }
0x2d: {  	s3 =	simm.s32 $0x108;
	s8 =	sld [smem:$0x3FB6]  }
0x2e: {  	s3 =	simm.s32 @!p0 $0x1082;
	s9 =	sld [smem:$0x3FB7]  }
0x2f: {  	lr =	sadd.s32 s0, s3;
	s0 =	sld [smem:$0x3FAE]  }
0x30: {  	s3 =	sld [smem:$0x3FB1]  }
0x31: {  	[smem:$0x3FBA] =	sst s10  }
0x32: {  	s10 =	sld [smem:$0x3FB8];
	_ =	sdelay $0x3  }
0x33: {  	p0 =	seq.s32 s10, $0x1;
	s10 =	sld [smem:$0x3FBA];
	_ =	sdelay $0x3  }
0x34: {  	[smem:$0x3FBA] =	sst s10  }
0x35: {  	s10 =	sld [smem:$0x3FB9];
	_ =	sdelay $0x3  }
0x36: {  	p1 =	seq.s32 s10, $0x1;
	s10 =	sld [smem:$0x3FBA];
	_ =	sdelay $0x3  }
0x37: {  	[smem:$0x3FBA] =	sst s10  }
0x38: {  	s10 =	sld [smem:$0x3FBB]  }
0x39: {  	_ = 	snop;
	(pc) =	sbr.ind lr, $3  }
0x3a: {  	_ = 	snop  }
0x3b: {  	_ = 	snop  }
0x3c: {  	p2 =	seq.s32 s10, $0x1;
	s10 =	sld [smem:$0x3FBA]  }
0x3d: {  	_ =	shalt  }
0x3e: {  	_ =	shalt  }
0x3f: {  	_ =	shalt  }
0x40: {  	_ =	shalt  }
0x41: {  	_ =	shalt  }
0x42: {  	_ =	shalt  }
0x43: {  	_ =	shalt  }
0x44: {  	_ =	shalt  }
0x45: {  	_ =	shalt  }
0x46: {  	_ =	shalt  }
0x47: {  	_ =	shalt  }
0x48: {  	_ =	shalt  }
0x49: {  	_ =	shalt  }
0x4a: {  	_ =	shalt  }
0x4b: {  	_ =	shalt  }
0x4c: {  	_ =	shalt  }
0x4d: {  	_ =	shalt  }
0x4e: {  	_ =	shalt  }
0x4f: {  	_ =	shalt  }
0x50: {  	_ =	shalt  }
0x51: {  	_ =	shalt  }
0x52: {  	_ =	shalt  }
0x53: {  	_ =	shalt  }
0x54: {  	_ =	shalt  }
0x55: {  	_ =	shalt  }
0x56: {  	_ =	shalt  }
0x57: {  	_ =	shalt  }
0x58: {  	_ =	shalt  }
0x59: {  	_ =	shalt  }
0x5a: {  	_ =	shalt  }
0x5b: {  	_ =	shalt  }
0x5c: {  	_ =	shalt  }
0x5d: {  	_ =	shalt  }
0x5e: {  	_ =	shalt  }
0x5f: {  	_ =	shalt  }
0x60: {  	_ =	shalt  }
0x61: {  	_ =	shalt  }
0x62: {  	_ =	shalt  }
0x63: {  	_ =	shalt  }
0x64: {  	_ =	shalt  }
0x65: {  	_ =	shalt  }
0x66: {  	_ =	shalt  }
0x67: {  	_ =	shalt  }
0x68: {  	_ =	shalt  }
0x69: {  	_ =	shalt  }
0x6a: {  	_ =	shalt  }
0x6b: {  	_ =	shalt  }
0x6c: {  	_ =	shalt  }
0x6d: {  	_ =	shalt  }
0x6e: {  	_ =	shalt  }
0x6f: {  	_ =	shalt  }
0x70: {  	_ =	shalt  }
0x71: {  	_ =	shalt  }
0x72: {  	_ =	shalt  }
0x73: {  	_ =	shalt  }
0x74: {  	_ =	shalt  }
0x75: {  	_ =	shalt  }
0x76: {  	_ =	shalt  }
0x77: {  	_ =	shalt  }
0x78: {  	_ =	shalt  }
0x79: {  	_ =	shalt  }
0x7a: {  	_ =	shalt  }
0x7b: {  	_ =	shalt  }
0x7c: {  	_ =	shalt  }
0x7d: {  	_ =	shalt  }
0x7e: {  	_ =	shalt  }
0x7f: {  	_ =	shalt  }
0x80: {  	_ =	shalt  }
0x81: {  	_ =	shalt  }
0x82: {  	_ =	shalt  }
0x83: {  	_ =	shalt  }
0x84: {  	_ =	shalt  }
0x85: {  	_ =	shalt  }
0x86: {  	_ =	shalt  }
0x87: {  	_ =	shalt  }
.Lfunc_end0:
.L_simem_size_0:
called_computation.3_lowered:
.L_overlay_start_0:
0x88: {  	s0 =	sld [smem:$0x3FD9]  }
0x89: {  	s1 =	sld [smem:$0x3FFE];
	_ =	sdelay $0x3  }
0x8a: {  	s0 =	sadd.s32 s1, s0  }
0x8b: {  	[smem:$0x3FC6] =	sst s0  }
0x8c: {  	_ = 	snop  }
0x8d: {  	s0 =	sld [smem:$0x3FD0];
	(tm) =	ssettm $0x1  }
0x8e: {  	s16 =	sld [smem:$0x3FFB];
	_ =	sdelay $0x3  }
0x8f: {  	_ =	strace s16  }
0x90: {  	s1 =	sld [smem:$0x3FFC];
	_ =	sdelay $0x3  }
0x91: {  	_ =	strace s1  }
0x92: {  	s1 =	sld [smem:$0x3FFD];
	_ =	sdelay $0x3  }
0x93: {  	_ =	strace s1  }
0x94: {  	_ =	strace $0x8FFFFFFF  }
0x95: {  	s17 =	sld [smem:$0x3FDB];
	_ =	sdelay $0x1  }
0x96: {  	s2 =	simm.s32 $_scs_section_size  }
0x97: {  	s3 =	simm.s32 $_size__tile_overlayer_lowered;
	s4 =	simm.s32 $_tile_overlayer_lowered  }
0x98: {  	s20 =	simm.s32 $0x1BFF;
	s19 =	sshll.u32 s4, $0x1;
	s1 =	sadd.s32 s2, s17  }
0x99: {  	s5 =	simm.s32 $0x0;
	s18 =	sshll.u32 s3, $0x1;
	s3 =	sadd.s32 s19, s1  }
0x9a: {  	[timem:s5], [sflag:s20] =	dma.local [hbm:s3], s18  }
0x9b: {  	_ =	swait.ge [sflag:s20], s18  }
0x9c: {  	s2 =	ssub.s32 $0x0, s18;
	[sflag:s20] =	ssyncset.done $0x0  }
0x9d: {  	[sflag:s20] =	ssyncadd.s32 s2;
	_ =	sdelay $0x1  }
0x9e: {  	s21 =	simm.s32 $0x1B8B  }
0x9f: {  	_ =	swait.ge [sflag:s21], $0x1  }
0xa0: {  	[sflag:s21] =	ssyncset.done $0x0  }
0xa1: {  	s23 =	simm.s32 $0x1B8E;
	s22 =	sld [smem:$0x3FFE];
	[sflag:s21] =	ssyncadd.s32 $0xFFFFFFFF  }
0xa2: {  	s24 =	simm.s32 $execute0_lowered;
	[smem:$0x3FD2] =	sst s23  }
0xa3: {  	s3 =	sshll.u32 s24, $0x1;
	_ =	strace $0x8000004C;
	[dreg:$0x1] =	wrdreg $0xFFFFFFFF  }
0xa4: {  	s25 =	simm.s32 $_size_execute0_lowered;
	s1 =	sadd.s32 s1, s3;
	[dreg:$0x0] =	wrdreg $0x0  }
0xa5: {  	s3 =	sshll.u32 s25, $0x1;
	[dreg:$0x2] =	wrdreg s1  }
0xa6: {  	[dreg:$0x3] =	wrdreg s3  }
0xa7: {  	[dreg:$0x4] =	wrdreg $0xC0  }
0xa8: {  	_ =	task [dreg:s5], $0x5FFFF  }
0xa9: {  	[dreg:$0x1] =	wrdreg $0xFFFFFFFF  }
0xaa: {  	[dreg:$0x0] =	wrdreg $0x60  }
0xab: {  	[dreg:$0x2] =	wrdreg s22  }
0xac: {  	[dreg:$0x3] =	wrdreg s0  }
0xad: {  	[dreg:$0x4] =	wrdreg $0xA  }
0xae: {  	_ =	task.clear_ibuf [dreg:s5], $0x5FFFF;
	_ =	strace $0x9000004C  }
0xaf: {  	s26 =	simm.s32 $0xA;
	_ =	strace $0x8000004E  }
0xb0: {  	_ =	swait.ge [sflag:s26], $0x1  }
0xb1: {  	[sflag:s26] =	ssyncadd.s32 $0xFFFFFFFF  }
0xb2: {  	_ =	strace $0x9000004E  }
0xb3: {  	_ =	sfence  }
0xb4: {  	s28 =	sld [smem:$0x0];
	_ =	sdelay $0x1  }
0xb5: {  	s29 =	srdreg.scid  }
0xb6: {  	s30 =	sshll.u32 s29, $0xD;
	s31 =	sshrl.u32 s29, $0x2  }
0xb7: {  	s2 =	sand.u32 $0x4000, s30;
	s1 =	sand.u32 $0x1, s29;
	s0 =	sadd.s32 s31, s28  }
0xb8: {  	s1 =	sor.u32 s2, s1;
	s0 =	sshll.u32 s0, $0x11  }
0xb9: {  	s0 =	sor.u32 s0, s1  }
0xba: {  	s0 =	sadd.s32 $0x8F2B, s0  }
0xbb: {  	[sflag:s0] =	ssyncadd.remote.s32 $0x1  }
0xbc: {  	_ =	sfence.sel $0xFFFF  }
0xbd: {  	[dreg:$0x0] =	wrdreg $0xFFFFFFFF;
	(pc) =	sbr.abs _section_cstart, $3  }
0xbe: {  	[dreg:$0x1] =	wrdreg $0xFFFFFFFF  }
0xbf: {  	_ =	task.clear_ibuf [dreg:s5], $0x2FFFF;
	_ =	strace $0x9FFFFFFF  }
0xc0: {  	(tm) =	ssettm $0x7FFFFFFF  }
0xc1: {  	_ =	shalt  }
tec
execute0_lowered:
.L_overlay_start_1:
0x0: {  	(tag) =	ssettag $0x1  }
0x1: {  	s8 =	rddreg [dreg:$0x0]  }
0x2: {  	s2 =	rddreg [dreg:$0x1]  }
0x3: {  	s0 =	rddreg [dreg:$0x2]  }
0x4: {  	_ =	strace $0x8000004D;
	s1 =	stileid.u32;
	s5 =	simm.s32 $0x1  }
0x5: {  	s6 =	simm.s32 $0x500;
	s9 =	simm.s32 $0x1;
	s10 =	simm.s32 $0x3  }
0x6: {  	s13 =	simm.s32 $0x0;
	s12 =	simm.s32 $0x0;
	s4 =	smul.u32 $0x50, s1  }
0x7: {  	s3 =	sadd.s32 $0x1EAA00, s8;
	p0 =	slt.u32 s1, $0xA;
	[sflag:s5] =	ssyncpa.u1 $0x0  }
.Ltmp0:
0x8: {  	s6 =	simm.s32 @!p0 $0x0;
	s7 =	ssub.s32 $0x7D0, s4;
	(pc) =	sbr.rel .LBB2_1-.Ltmp0, $4  }
0x9: {  	s9 =	simm.s32 @!p0 $0x0;
	p0 =	sne.s32 s7, s6;
	s7 =	simm.s32 $0x1  }
0xa: {  	s8 =	sadd.s32 $0xFE00, s8;
	s6 =	simm.s32 $0x2;
	s7 =	simm.s32 @!p0 $0x0  }
0xb: {  	s11 =	smov.u32 s4;
	[sflag:s6] =	ssyncpa.u1 $0x0;
	s7 =	sadd.s32 s9, s7  }
0xc: {  	vm0 =	vmmov $0xffff;
	[sflag:s10] =	ssyncpa.u1 $0x0;
	s10 =	simm.s32 $0x0;
	s9 =	sadd.s32 $0x1, s7  }
.LBB2_4:
0xd: {  	v5 =	vld.msk [tilespmem:s18+$0x0 ss:$0x1], $0xffff  }
0xe: {  	v6 =	vand.u32 $0x1, v1;
	v7 =	vshrl.u32 v1, $0x1  }
0xf: {  	v3 =	vor.u32 v4, v3;
	vm1 =	veq.s32 v1, $0x80000000;
	v53 =	vand.u32 $0x7FF, v7  }
0x10: {  	v2 =	vor.u32 v2, v3;
	v54 =	vsel vm1, $0xFFFFFFFF, v6;
	v1 =	vsel vm1, $0xFFFFFFFF, v53  }
0x11: {  	v6 =	vshll.u32 v54, $0x7;
	v3 =	vand.u32 $0xFFFFF000, v54;
	v55 =	vand.u32 $0x7F, v1  }
0x12: {  	v1 =	vshll.u32 v1, $0x1;
	v6 =	vand.u32 $0x80, v6;
	v56 =	vshrl.u32 v5, $0x1  }
0x13: {  	v1 =	vand.u32 $0xFFFFFF00, v1;
	vm1 =	veq.s32 v5, $0x80000000;
	v57 =	vand.u32 $0x7FF, v56  }
0x14: {  	v1 =	vadd.s32 v3, v1;
	v5 =	vand.u32 $0x1, v5;
	v3 =	vsel vm1, $0xFFFFFFFF, v57  }
0x15: {  	v1 =	vor.u32 v6, v1;
	v5 =	vsel vm1, $0xFFFFFFFF, v5;
	v58 =	vshll.u32 v3, $0x1  }
0x16: {  	v59 =	vshll.u32 v5, $0x7;
	v5 =	vand.u32 $0xFFFFF000, v5;
	v6 =	vand.u32 $0xFFFFFF00, v58  }
0x17: {  	v1 =	vor.u32 v55, v1;
	v61 =	vand.u32 $0x80, v59;
	v60 =	vadd.s32 v5, v6  }
0x18: {  	[tilespmem:s16], [sflag:$0x1] =	stream.indirect_vreg.gather [hbm4b:s3+s10], $0x1, v0, vm0, $0x4038;
	v62 =	vand.u32 $0x7F, v3;
	v63 =	vor.u32 v61, v60;
	[tilespmem:$0x140] =	vst v63  }
0x19: {  	(ifvalue) =	ssetifvalue $0x7FFFFFFF;
	v0 =	vor.u32 v62, v63  }
0x1a: {  	[tilespmem:s15], [sflag:$0x1] =	stream.indirect_vreg.gather [hbm4b:s3+s10], $0x1, v2, vm0, $0x4038;
	[tilespmem:$0x140] =	vst v63  }
0x1b: {  	s29 =	sadd.s32 $0x10, s15;
	(ifvalue) =	ssetifvalue $0x7FFFFFFF  }
0x1c: {  	[tilespmem:s29], [sflag:$0x1] =	stream.indirect_vreg.gather [hbm4b:s3+s10], $0x1, v1, vm0, $0x4038;
	[tilespmem:$0x140] =	vst v63  }
0x1d: {  	s15 =	sadd.s32 $0x10, s29;
	(ifvalue) =	ssetifvalue $0x7FFFFFFF  }
0x1e: {  	[tilespmem:s15], [sflag:$0x1] =	stream.indirect_vreg.gather [hbm4b:s3+s10], $0x1, v0, vm0, $0x4038;
	[tilespmem:$0x140] =	vst v63  }
0x1f: {  	_ =	swait.ge [sflag:s5], $0x50  }
0x20: {  	s30 =	sshrl.u32 s13, $0x3;
	[sflag:s5] =	ssyncset.done $0x0  }
0x21: {  	s31 =	sand.u32 $0x7, s13;
	s15 =	sadd.s32 s8, s30;
	[sflag:s5] =	ssyncadd.s32 $0xFFFFFFB0  }
0x22: {  	[hbm4b:s15+s31] =	stream.linear.scatter [tilespmem:s14], [sflag:$0x3], $0x50, $0x38;
	[tilespmem:$0x140] =	vst v63  }
.LBB2_5:
0x23: {  	s15 =	sadd.s32 $0x500, s11  }
0x24: {  	p1 =	sgt.s32 s15, $0x7CF  }
0x25: {  	s15 =	smov.u32 @p1 s4;
	p1 =	sne.s32 s12, s9  }
.Ltmp1:
0x26: {  	p0 =	slt.u32 s12, $0x2;
	(pc) =	sbr.rel @!p1 .LBB2_6-.Ltmp1, $4  }
0x27: {  	s14 =	simm.s32 @!p0 $0x3  }
0x28: {  	_ =	swait.ge @!p0 [sflag:s14], $0x50  }
0x29: {  	s16 =	sadd.s32 $0x1, s12;
	s13 =	smov.u32 s11;
	[sflag:s14] =	ssyncset.done @!p0 $0x0  }
0x2a: {  	s12 =	smov.u32 s16;
	s11 =	smov.u32 s15;
	[sflag:s14] =	ssyncadd.s32 @!p0 $0xFFFFFFB0  }
.LBB2_1:
0x2b: {  	p0 =	sge.u32 s12, s7  }
0x2c: {  	s14 =	sxor.u32 @!p0 $0x1, s12  }
0x2d: {  	s14 =	smul.u32 @!p0 $0x140, s14  }
0x2e: {  	s31 =	sadd.s32 $0xFFFFFFFF, s12;
	s15 =	sshrl.u32 @!p0 s11, $0x3  }
0x2f: {  	s16 =	sand.u32 @!p0 $0x7, s11;
	s15 =	sadd.s32 @!p0 s2, s15;
	s14 =	sshra.s32 @!p0 s14, $0x2  }
0x30: {  	[tilespmem:s14], [sflag:$0x2] =	stream.linear.gather @!p0 [hbm4b:s15+s16], $0x50, $0x38;
	[tilespmem:$0x140] =	vst v63  }
0x31: {  	p0 =	sge.u32 s31, s7  }
.Ltmp2:
0x32: {  	_ = 	snop;
	(pc) =	sbr.rel @p0 .LBB2_5-.Ltmp2, $1  }
0x33: {  	_ =	sdelay $0x3  }
0x34: {  	s14 =	sand.u32 $0x1, s12  }
0x35: {  	_ =	swait.ge [sflag:s6], $0x50;
	p0 =	seq.s32 s14, $0x1;
	s14 =	simm.s32 $0x50  }
0x36: {  	[sflag:s6] =	ssyncset.done $0x0;
	s14 =	simm.s32 @!p0 $0x0  }
0x37: {  	[sflag:s6] =	ssyncadd.s32 $0xFFFFFFB0;
	(ifvalue) =	ssetifvalue $0x7FFFFFFF;
	v0 =	vld.msk [tilespmem:s14+$0x0 ss:$0x1], $0xffff;
	_ =	sdelay $0x4  }
0x38: {  	s15 =	sadd.s32 $0x10, s14;
	v2 =	vshrl.u32 v0, $0x1  }
0x39: {  	v1 =	vld.msk [tilespmem:s15+$0x0 ss:$0x1], $0xffff;
	vm1 =	veq.s32 v0, $0x80000000;
	v2 =	vand.u32 $0x7FF, v2  }
0x3a: {  	v0 =	vand.u32 $0x1, v0;
	v2 =	vsel vm1, $0xFFFFFFFF, v2  }
0x3b: {  	v0 =	vsel vm1, $0xFFFFFFFF, v0;
	v3 =	vshll.u32 v2, $0x1  }
0x3c: {  	v4 =	vand.u32 $0xFFFFF000, v0;
	v0 =	vshll.u32 v0, $0x7;
	v3 =	vand.u32 $0xFFFFFF00, v3  }
0x3d: {  	v0 =	vand.u32 $0x80, v0;
	v3 =	vadd.s32 v4, v3  }
0x3e: {  	v2 =	vand.u32 $0x7F, v2;
	v4 =	vshrl.u32 v1, $0x1;
	v0 =	vor.u32 v0, v3  }
0x3f: {  	vm1 =	veq.s32 v1, $0x80000000;
	v4 =	vand.u32 $0x7FF, v4;
	v0 =	vor.u32 v2, v0  }
0x40: {  	s15 =	sadd.s32 $0x10, s15;
	v1 =	vand.u32 $0x1, v1;
	v3 =	vsel vm1, $0xFFFFFFFF, v4  }
0x41: {  	s14 =	sor.u32 $0xA0, s14;
	v2 =	vsel vm1, $0xFFFFFFFF, v1;
	v1 =	vld.msk [tilespmem:s15+$0x0 ss:$0x1], $0xffff;
	v4 =	vshll.u32 v3, $0x1  }
0x42: {  	s17 =	simm.s32 $0x30;
	s16 =	smov.u32 s14;
	v5 =	vshll.u32 v2, $0x7;
	v6 =	vand.u32 $0xFFFFF000, v2;
	v4 =	vand.u32 $0xFFFFFF00, v4  }
0x43: {  	s18 =	sadd.s32 $0x10, s15;
	(ifvalue) =	ssetifvalue $0x7FFFFFFF;
	s15 =	sadd.s32 $0x10, s14;
	v2 =	vand.u32 $0x7F, v3;
	v3 =	vadd.s32 v6, v4;
	v4 =	vand.u32 $0x80, v5  }
.LBB2_3:
0x44: {  	[tilespmem:s16], [sflag:$0x1] =	stream.indirect_vreg.gather [hbm4b:s3+s10], $0x1, v0, vm0, $0x4038;
	[tilespmem:$0x140] =	vst v63  }
0x45: {  	s17 =	sadd.s32 $0x10, s17  }
0x46: {  	v5 =	vand.u32 $0x1, v1;
	v6 =	vshrl.u32 v1, $0x1;
	v3 =	vor.u32 v4, v3;
	v0 =	vmovc v1;
	v1 =	vld.msk [tilespmem:s18+$0x0 ss:$0x1], $0xffff;
	p0 =	slt.u32 s17, $0x40  }
.Ltmp3:
0x47: {  	s16 =	smov.u32 s15;
	vm1 =	veq.s32 v0, $0x80000000;
	v4 =	vand.u32 $0x7FF, v6;
	v0 =	vor.u32 v2, v3;
	(pc) =	sbr.rel @p0 .LBB2_3-.Ltmp3, $4  }
0x48: {  	v3 =	vsel vm1, $0xFFFFFFFF, v5;
	v4 =	vsel vm1, $0xFFFFFFFF, v4  }
0x49: {  	v2 =	vand.u32 $0x7F, v4;
	v4 =	vshll.u32 v4, $0x1;
	v5 =	vshll.u32 v3, $0x7  }
0x4a: {  	v3 =	vand.u32 $0xFFFFF000, v3;
	v4 =	vand.u32 $0xFFFFFF00, v4  }
0x4b: {  	s18 =	sadd.s32 $0x10, s18;
	s15 =	sadd.s32 $0x10, s15;
	v3 =	vadd.s32 v3, v4;
	v4 =	vand.u32 $0x80, v5;
	(ifvalue) =	ssetifvalue $0x7FFFFFFF  }
.Ltmp4:
0x4c: {  	_ = 	snop;
	(pc) =	sbr.rel .LBB2_4-.Ltmp4, $1  }
0x4d: {  	_ =	sdelay $0x3  }
.LBB2_6:
0x4e: {  	_ =	sfence.sel $0x180000  }
0x4f: {  	s2 =	simm.s32 $0x2;
	[bflag:$0x0] =	sbarrier.arrive $0xFFFF  }
0x50: {  	s30 =	simm.s32 $0x3;
	[sflag:s2] =	ssyncpa.u1 $0x1  }
0x51: {  	s31 =	simm.s32 $0x1;
	[sflag:s30] =	ssyncpa.u1 $0x1  }
0x52: {  	[sflag:s31] =	ssyncpa.u1 $0x1  }
0x53: {  	p0 =	sne.s32 s1, $0x0;
	_ =	strace $0x9000004D  }
0x54: {  	s0 =	sadd.s32 @!p0 $0x100000, s0;
	[bflag:$0x2] =	sbarrier.arrive $0xFFFF  }
0x55: {  	[sflag:s0] =	ssyncadd.tile.s32 @!p0 $0x1;
	_ =	shalt  }
.Lfunc_end2:
_tile_overlayer_lowered:
.L_overlay_start_2:
0x56: {  	(tag) =	ssettag $0x2  }
0x57: {  	s0 =	rddreg [dreg:$0x0];
	s2 =	stileid.u32  }
0x58: {  	s1 =	rddreg [dreg:$0x1];
	p0 =	sne.s32 s2, $0x0  }
0x59: {  	s3 =	rddreg [dreg:$0x2];
	[bflag:$0x3] =	sbarrier.arrive $0xFFFF;
	s2 =	simm.s32 @!p0 $0x1C01  }
0x5a: {  	[timem:s3], [sflag:s2] =	dma.local @!p0 [hbm:s0], s1  }
0x5b: {  	s0 =	simm.s32 @!p0 $0x1  }
0x5c: {  	_ =	swait.ge @!p0 [sflag:s0], s1  }
0x5d: {  	s1 =	ssub.s32 @!p0 $0x0, s1;
	[sflag:s0] =	ssyncset.done @!p0 $0x0  }
0x5e: {  	[sflag:s0] =	ssyncadd.s32 @!p0 s1  }
0x5f: {  	[bflag:$0x3] =	sbarrier.arrive $0xFFFF  }
0x60: {  	_ =	shalt  }

// kernel: gather_offload_async_start
scs
__scs_entry_jumppad:
0x0: {  	(pc) =	sbr.rel $0x88, $3  }
0x1: {  	(tag) =	ssettag $0x0;
	lr =	simm.s32 $0x1  }
0x2: {  	[smem:$0x3F9F] =	sst lr;
	_ =	strace $0xD0000000  }
0x3: {  	_ = 	snop  }
0x4: {  	_ = 	snop  }
0x5: {  	_ = 	snop  }
0x6: {  	_ = 	snop  }
0x7: {  	_ = 	snop  }
__scs_overlays_trampoline_lowered:
0x8: {  	[smem:$0x3FAE] =	sst s0  }
0x9: {  	[smem:$0x3FAF] =	sst s1  }
0xa: {  	[smem:$0x3FB0] =	sst s2  }
0xb: {  	[smem:$0x3FB1] =	sst s3  }
0xc: {  	[smem:$0x3FB2] =	sst s4  }
0xd: {  	[smem:$0x3FB3] =	sst s5  }
0xe: {  	[smem:$0x3FB4] =	sst s6  }
0xf: {  	[smem:$0x3FB5] =	sst s7  }
0x10: {  	[smem:$0x3FB6] =	sst s8  }
0x11: {  	[smem:$0x3FB7] =	sst s9;
	s0 =	simm.s32 @!p0 $0x0  }
0x12: {  	s1 =	sld [smem:$0x3F9D];
	s0 =	simm.s32 @p0 $0x1  }
0x13: {  	[smem:$0x3FB8] =	sst s0;
	s0 =	simm.s32 @!p1 $0x0  }
0x14: {  	s2 =	sld [smem:$0x3F9C];
	s0 =	simm.s32 @p1 $0x1  }
0x15: {  	[smem:$0x3FB9] =	sst s0;
	s0 =	simm.s32 @!p2 $0x0  }
0x16: {  	s3 =	sld [smem:$0x3FDB];
	s0 =	simm.s32 @p2 $0x1  }
0x17: {  	s4 =	simm.s32 $0x1BF5;
	[smem:$0x3FBB] =	sst s0  }
0x18: {  	s0 =	sld [smem:$0x3F9E];
	_ =	swait.ge [sflag:s4], $0x0  }
0x19: {  	s7 =	sld [smem:$0x3F9F]  }
0x1a: {  	s8 =	sadd.s32 $0xFFFFE003, lr  }
0x1b: {  	s9 =	sadd.s32 $0xFFFFFEF7, lr;
	s5 =	simm.s32 $0xFFFFFFFF;
	p2 =	slt.u32 s8, $0xFFFFF086  }
0x1c: {  	p1 =	slt.u32 s9, $0xF7A;
	s5 =	simm.s32 @!p2 $0x0  }
0x1d: {  	s5 =	simm.s32 @p1 $0x1;
	p0 =	seq.s32 s7, s2  }
0x1e: {  	s7 =	smul.u32 @!p0 $0xF7A, s2;
	p2 =	seq.s32 @!p0 s5, $0x0  }
0x1f: {  	s9 =	smul.u32 $0xF7A, s1;
	s8 =	simm.s32 @!p0 $0x1BF5;
	p2 =	por !p2, p0  }
0x20: {  	[sflag:s8] =	ssyncset.s32 @!p0 $0xFFFFF086;
	s6 =	sadd.s32 @!p0 s3, s7;
	s7 =	simm.s32 @!p0 $0x108  }
0x21: {  	s3 =	sadd.s32 s3, s9;
	s6 =	sadd.s32 @!p0 $0x88, s6;
	s7 =	simm.s32 @p2 $0x1082  }
0x22: {  	[simem:s7], [sflag:s8] =	dma.local @!p0 [hbm:s6], $0xF7A  }
0x23: {  	s9 =	sor.u32 $0xD0000000, s2;
	s6 =	simm.s32 $0x108;
	_ =	swait.ge @!p0 [sflag:s8], $0x0  }
0x24: {  	s3 =	sadd.s32 $0x88, s3;
	s6 =	simm.s32 @!p1 $0x1082;
	[sflag:s4] =	ssyncset.s32 $0xFFFFF086  }
0x25: {  	[simem:s6], [sflag:s4] =	dma.local [hbm:s3], $0xF7A  }
0x26: {  	[smem:$0x3F9F] =	sst s1;
	(tag) =	ssettag s2;
	_ =	strace s9  }
0x27: {  	s1 =	sld [smem:$0x3FAF]  }
0x28: {  	s2 =	sld [smem:$0x3FB0]  }
0x29: {  	s4 =	sld [smem:$0x3FB2]  }
0x2a: {  	p0 =	seq.s32 s5, $0x0;
	s5 =	sld [smem:$0x3FB3]  }
0x2b: {  	s6 =	sld [smem:$0x3FB4]  }
0x2c: {  	s7 =	sld [smem:$0x3FB5]  }
0x2d: {  	s3 =	simm.s32 $0x108;
	s8 =	sld [smem:$0x3FB6]  }
0x2e: {  	s3 =	simm.s32 @!p0 $0x1082;
	s9 =	sld [smem:$0x3FB7]  }
0x2f: {  	lr =	sadd.s32 s0, s3;
	s0 =	sld [smem:$0x3FAE]  }
0x30: {  	s3 =	sld [smem:$0x3FB1]  }
0x31: {  	[smem:$0x3FBA] =	sst s10  }
0x32: {  	s10 =	sld [smem:$0x3FB8];
	_ =	sdelay $0x3  }
0x33: {  	p0 =	seq.s32 s10, $0x1;
	s10 =	sld [smem:$0x3FBA];
	_ =	sdelay $0x3  }
0x34: {  	[smem:$0x3FBA] =	sst s10  }
0x35: {  	s10 =	sld [smem:$0x3FB9];
	_ =	sdelay $0x3  }
0x36: {  	p1 =	seq.s32 s10, $0x1;
	s10 =	sld [smem:$0x3FBA];
	_ =	sdelay $0x3  }
0x37: {  	[smem:$0x3FBA] =	sst s10  }
0x38: {  	s10 =	sld [smem:$0x3FBB]  }
0x39: {  	_ = 	snop;
	(pc) =	sbr.ind lr, $3  }
0x3a: {  	_ = 	snop  }
0x3b: {  	_ = 	snop  }
0x3c: {  	p2 =	seq.s32 s10, $0x1;
	s10 =	sld [smem:$0x3FBA]  }
0x3d: {  	_ =	shalt  }
0x3e: {  	_ =	shalt  }
0x3f: {  	_ =	shalt  }
0x40: {  	_ =	shalt  }
0x41: {  	_ =	shalt  }
0x42: {  	_ =	shalt  }
0x43: {  	_ =	shalt  }
0x44: {  	_ =	shalt  }
0x45: {  	_ =	shalt  }
0x46: {  	_ =	shalt  }
0x47: {  	_ =	shalt  }
0x48: {  	_ =	shalt  }
0x49: {  	_ =	shalt  }
0x4a: {  	_ =	shalt  }
0x4b: {  	_ =	shalt  }
0x4c: {  	_ =	shalt  }
0x4d: {  	_ =	shalt  }
0x4e: {  	_ =	shalt  }
0x4f: {  	_ =	shalt  }
0x50: {  	_ =	shalt  }
0x51: {  	_ =	shalt  }
0x52: {  	_ =	shalt  }
0x53: {  	_ =	shalt  }
0x54: {  	_ =	shalt  }
0x55: {  	_ =	shalt  }
0x56: {  	_ =	shalt  }
0x57: {  	_ =	shalt  }
0x58: {  	_ =	shalt  }
0x59: {  	_ =	shalt  }
0x5a: {  	_ =	shalt  }
0x5b: {  	_ =	shalt  }
0x5c: {  	_ =	shalt  }
0x5d: {  	_ =	shalt  }
0x5e: {  	_ =	shalt  }
0x5f: {  	_ =	shalt  }
0x60: {  	_ =	shalt  }
0x61: {  	_ =	shalt  }
0x62: {  	_ =	shalt  }
0x63: {  	_ =	shalt  }
0x64: {  	_ =	shalt  }
0x65: {  	_ =	shalt  }
0x66: {  	_ =	shalt  }
0x67: {  	_ =	shalt  }
0x68: {  	_ =	shalt  }
0x69: {  	_ =	shalt  }
0x6a: {  	_ =	shalt  }
0x6b: {  	_ =	shalt  }
0x6c: {  	_ =	shalt  }
0x6d: {  	_ =	shalt  }
0x6e: {  	_ =	shalt  }
0x6f: {  	_ =	shalt  }
0x70: {  	_ =	shalt  }
0x71: {  	_ =	shalt  }
0x72: {  	_ =	shalt  }
0x73: {  	_ =	shalt  }
0x74: {  	_ =	shalt  }
0x75: {  	_ =	shalt  }
0x76: {  	_ =	shalt  }
0x77: {  	_ =	shalt  }
0x78: {  	_ =	shalt  }
0x79: {  	_ =	shalt  }
0x7a: {  	_ =	shalt  }
0x7b: {  	_ =	shalt  }
0x7c: {  	_ =	shalt  }
0x7d: {  	_ =	shalt  }
0x7e: {  	_ =	shalt  }
0x7f: {  	_ =	shalt  }
0x80: {  	_ =	shalt  }
0x81: {  	_ =	shalt  }
0x82: {  	_ =	shalt  }
0x83: {  	_ =	shalt  }
0x84: {  	_ =	shalt  }
0x85: {  	_ =	shalt  }
0x86: {  	_ =	shalt  }
0x87: {  	_ =	shalt  }
.Lfunc_end0:
.L_simem_size_0:
called_computation_lowered:
.L_overlay_start_0:
0x88: {  	s2 =	sld [smem:$0x3FD9]  }
0x89: {  	s3 =	sld [smem:$0x3FFE];
	_ =	sdelay $0x1  }
0x8a: {  	s1 =	srdreg.scid  }
0x8b: {  	s0 =	sand.u32 $0x1, s1  }
0x8c: {  	s17 =	sshll.u32 s0, $0xA;
	s2 =	sadd.s32 s3, s2  }
0x8d: {  	s2 =	sadd.s32 s2, s17  }
0x8e: {  	[smem:$0x3FC6] =	sst s2  }
0x8f: {  	_ = 	snop  }
0x90: {  	s2 =	sld [smem:$0x3FD0];
	(tm) =	ssettm $0x1  }
0x91: {  	s18 =	sld [smem:$0x3FFB];
	_ =	sdelay $0x3  }
0x92: {  	_ =	strace s18  }
0x93: {  	s3 =	sld [smem:$0x3FFC];
	_ =	sdelay $0x3  }
0x94: {  	_ =	strace s3  }
0x95: {  	s3 =	sld [smem:$0x3FFD];
	_ =	sdelay $0x3  }
0x96: {  	_ =	strace s3  }
0x97: {  	_ =	strace $0x8FFFFFFF  }
0x98: {  	s19 =	sld [smem:$0x3FDB];
	_ =	sdelay $0x1  }
0x99: {  	s4 =	simm.s32 $_scs_section_size  }
0x9a: {  	s5 =	simm.s32 $_size__tile_overlayer_lowered;
	s6 =	simm.s32 $_tile_overlayer_lowered  }
0x9b: {  	s22 =	simm.s32 $0x1BFF;
	s21 =	sshll.u32 s6, $0x1;
	s3 =	sadd.s32 s4, s19  }
0x9c: {  	s7 =	simm.s32 $0x0;
	s20 =	sshll.u32 s5, $0x1;
	s5 =	sadd.s32 s21, s3  }
0x9d: {  	[timem:s7], [sflag:s22] =	dma.local [hbm:s5], s20  }
0x9e: {  	_ =	swait.ge [sflag:s22], s20  }
0x9f: {  	s4 =	ssub.s32 $0x0, s20;
	[sflag:s22] =	ssyncset.done $0x0  }
0xa0: {  	[sflag:s22] =	ssyncadd.s32 s4;
	_ =	sdelay $0x1  }
0xa1: {  	s23 =	simm.s32 $0x1B8B  }
0xa2: {  	_ =	swait.ge [sflag:s23], $0x1  }
0xa3: {  	[sflag:s23] =	ssyncset.done $0x0  }
0xa4: {  	s25 =	simm.s32 $0x1B8E;
	s24 =	sld [smem:$0x3FFE];
	[sflag:s23] =	ssyncadd.s32 $0xFFFFFFFF  }
0xa5: {  	s26 =	simm.s32 $execute0_lowered;
	[smem:$0x3FD2] =	sst s25  }
0xa6: {  	s5 =	sshll.u32 s26, $0x1;
	_ =	strace $0x80000046;
	[dreg:$0x1] =	wrdreg $0xFFFFFFFF  }
0xa7: {  	s28 =	simm.s32 $_size_execute0_lowered;
	s3 =	sadd.s32 s3, s5;
	[dreg:$0x0] =	wrdreg $0x0  }
0xa8: {  	s5 =	sshll.u32 s28, $0x1;
	[dreg:$0x2] =	wrdreg s3  }
0xa9: {  	[dreg:$0x3] =	wrdreg s5  }
0xaa: {  	[dreg:$0x4] =	wrdreg $0xC0  }
0xab: {  	_ =	task [dreg:s7], $0x5FFFF  }
0xac: {  	[dreg:$0x1] =	wrdreg $0xFFFFFFFF  }
0xad: {  	[dreg:$0x0] =	wrdreg $0x60  }
0xae: {  	[dreg:$0x2] =	wrdreg s24  }
0xaf: {  	[dreg:$0x3] =	wrdreg s2  }
0xb0: {  	[dreg:$0x4] =	wrdreg $0x9  }
0xb1: {  	_ =	task.clear_ibuf [dreg:s7], $0x5FFFF;
	_ =	strace $0x90000046  }
0xb2: {  	s29 =	simm.s32 $0x9;
	_ =	strace $0x80000048  }
0xb3: {  	_ =	swait.ge [sflag:s29], $0x1  }
0xb4: {  	[sflag:s29] =	ssyncadd.s32 $0xFFFFFFFF  }
0xb5: {  	_ =	strace $0x90000048  }
0xb6: {  	_ =	sfence  }
0xb7: {  	s30 =	sld [smem:$0x0];
	_ =	sdelay $0x2  }
0xb8: {  	s31 =	sshll.u32 s1, $0xD;
	s1 =	sshrl.u32 s1, $0x2  }
0xb9: {  	s3 =	sand.u32 $0x4000, s31;
	s1 =	sadd.s32 s1, s30  }
0xba: {  	s0 =	sor.u32 s3, s0;
	s1 =	sshll.u32 s1, $0x11  }
0xbb: {  	s0 =	sor.u32 s1, s0  }
0xbc: {  	s0 =	sadd.s32 $0x8F2B, s0  }
0xbd: {  	[sflag:s0] =	ssyncadd.remote.s32 $0x1  }
0xbe: {  	_ =	sfence.sel $0xFFFF  }
0xbf: {  	[dreg:$0x0] =	wrdreg $0xFFFFFFFF;
	(pc) =	sbr.abs _section_cstart, $3  }
0xc0: {  	[dreg:$0x1] =	wrdreg $0xFFFFFFFF  }
0xc1: {  	_ =	task.clear_ibuf [dreg:s7], $0x2FFFF;
	_ =	strace $0x9FFFFFFF  }
0xc2: {  	(tm) =	ssettm $0x7FFFFFFF  }
0xc3: {  	_ =	shalt  }
tec
execute0_lowered:
.L_overlay_start_1:
0x0: {  	(tag) =	ssettag $0x1  }
0x1: {  	s0 =	srdreg.scid  }
0x2: {  	s1 =	sshll.u32 s0, $0x4  }
0x3: {  	s0 =	stileid.u32;
	s1 =	sand.u32 $0x10, s1  }
0x4: {  	s2 =	sor.u32 s0, s1  }
0x5: {  	s1 =	smin.u32 s2, $0x12  }
0x6: {  	s1 =	sadd.s32 s2, s1  }
0x7: {  	p0 =	slt.u32 s2, $0x12;
	s2 =	simm.s32 $0xA0;
	s1 =	smul.u32 $0x50, s1  }
0x8: {  	s2 =	simm.s32 @!p0 $0x50  }
0x9: {  	s2 =	sadd.s32 s2, s1  }
0xa: {  	s3 =	smin.u32 s2, $0xFA0  }
0xb: {  	s7 =	ssub.s32 s3, s1  }
0xc: {  	p0 =	sgt.s32 s7, $0x0  }
0xd: {  	s7 =	simm.s32 @!p0 $0x0  }
0xe: {  	s4 =	rddreg [dreg:$0x0];
	s31 =	smul.u32 $0xCCCD, s7  }
0xf: {  	s5 =	rddreg [dreg:$0x1]  }
0x10: {  	s6 =	simm.s32 $0x1;
	s10 =	simm.s32 $0x3;
	s8 =	sshrl.u32 s31, $0x16  }
0x11: {  	s13 =	simm.s32 $0x0;
	s12 =	simm.s32 $0x0;
	s9 =	smul.u32 $0x50, s8  }
.Ltmp0:
0x12: {  	s11 =	smov.u32 s1;
	s2 =	rddreg [dreg:$0x2];
	(pc) =	sbr.rel .LBB2_1-.Ltmp0, $4  }
0x13: {  	_ =	strace $0x80000047;
	p0 =	sne.s32 s7, s9;
	s9 =	simm.s32 $0x1  }
0x14: {  	[sflag:s6] =	ssyncpa.u1 $0x0;
	s7 =	simm.s32 $0x2;
	s9 =	simm.s32 @!p0 $0x0  }
0x15: {  	[sflag:s7] =	ssyncpa.u1 $0x0;
	p0 =	por $0x0, $0x0;
	s8 =	sadd.s32 s8, s9  }
0x16: {  	v0 =	vimm.s32 $0x0;
	vm0 =	vmmov $0xff;
	vm1 =	vcmask $0x3F20;
	s9 =	sadd.s32 $0x1DB000, s4;
	[sflag:s10] =	ssyncpa.u1 $0x0;
	s10 =	sadd.s32 $0x1, s8  }
.LBB2_6:
0x17: {  	[hbm:s17] =	stream.linear.scatter [tilespmem:s14], [sflag:$0x3], $0x400, $0x38;
	[tilespmem:$0x50A0] =	vst v63  }
.LBB2_7:
0x18: {  	s13 =	sadd.s32 $0x50, s11  }
0x19: {  	s15 =	smov.u32 s1;
	p2 =	slt.s32 s13, s3  }
0x1a: {  	s15 =	smov.u32 @p2 s13;
	p2 =	sne.s32 s12, s10  }
.Ltmp1:
0x1b: {  	p1 =	slt.u32 s12, $0x2;
	(pc) =	sbr.rel @!p2 .LBB2_8-.Ltmp1, $4  }
0x1c: {  	s14 =	simm.s32 @!p1 $0x3  }
0x1d: {  	s16 =	sadd.s32 $0x1, s12;
	_ =	swait.ge @!p1 [sflag:s14], $0x2800  }
0x1e: {  	p0 =	por !p0, !p0;
	s13 =	smov.u32 s11;
	[sflag:s14] =	ssyncset.done @!p1 $0x0  }
0x1f: {  	s12 =	smov.u32 s16;
	s11 =	smov.u32 s15;
	[sflag:s14] =	ssyncadd.s32 @!p1 $0xFFFFD800  }
.LBB2_1:
0x20: {  	p1 =	sge.u32 s12, s8  }
0x21: {  	s14 =	sxor.u32 @!p1 $0xFFFFFFFF, s12  }
0x22: {  	s14 =	sand.u32 @!p1 $0x1, s14  }
0x23: {  	s14 =	smul.u32 @!p1 $0x140, s14  }
0x24: {  	s31 =	sadd.s32 $0xFFFFFFFF, s12;
	s15 =	sshrl.u32 @!p1 s11, $0x3  }
0x25: {  	s16 =	sand.u32 @!p1 $0x7, s11;
	s15 =	sadd.s32 @!p1 s5, s15;
	s14 =	sshrl.u32 @!p1 s14, $0x2  }
0x26: {  	[tilespmem:s14], [sflag:$0x2] =	stream.linear.gather @!p1 [hbm4b:s15+s16], $0x50, $0x38;
	[tilespmem:$0x50A0] =	vst v63  }
0x27: {  	p1 =	sge.u32 s31, s8  }
.Ltmp2:
0x28: {  	_ = 	snop;
	(pc) =	sbr.rel @p1 .LBB2_7-.Ltmp2, $1  }
0x29: {  	_ =	sdelay $0x3  }
0x2a: {  	s14 =	simm.s32 $0x1  }
0x2b: {  	s14 =	simm.s32 @!p0 $0x0  }
0x2c: {  	s15 =	smul.u32 $0x140, s14  }
0x2d: {  	_ =	swait.ge [sflag:s7], $0x50  }
0x2e: {  	[sflag:s7] =	ssyncset.done $0x0;
	s16 =	sshrl.u32 s15, $0x2  }
0x2f: {  	[sflag:s7] =	ssyncadd.s32 $0xFFFFFFB0;
	s15 =	sadd.s32 $0x0, s16  }
0x30: {  	v1 =	vld.msk [tilespmem:s15+$0x0 ss:$0x1], $0xffff;
	_ =	sdelay $0x4  }
0x31: {  	v2 =	vand.u32 $0x1, v1;
	v3 =	vshll.u32 v1, $0x6  }
0x32: {  	vm2 =	veq.s32 v1, $0x80000000;
	vm3 =	veq.s32 v2, $0x1;
	v1 =	vand.u32 $0x7FFF80, v3  }
0x33: {  	v2 =	vsel vm3, $0x76C000, v0;
	v1 =	vsel vm2, $0xFFFFFF80, v1  }
0x34: {  	v2 =	vsel vm2, $0xFF894000, v2;
	v3 =	vand.u32 $0xFFFFFC00, v1  }
0x35: {  	v1 =	vand.u32 $0x380, v1;
	v2 =	vadd.s32 v2, v3  }
0x36: {  	v1 =	vor.u32 v1, v2  }
0x37: {  	v1 =	vshrl.u32 v1, $0x3  }
0x38: {  	s14 =	smul.u32 $0xA000, s14;
	_ =	sdelay $0x1  }
0x39: {  	s14 =	sshrl.u32 s14, $0x2  }
0x3a: {  	s14 =	sor.u32 $0xA0, s14  }
0x3b: {  	[tilespmem:s14], [sflag:$0x1] =	stream.indirect_vreg.gather [hbm:s4], $0x80, v1, vm0, $0x38;
	[tilespmem:$0x50A0] =	vst v63  }
0x3c: {  	s17 =	sadd.s32 $0x10, s16;
	s15 =	sadd.s32 $0x400, s14  }
0x3d: {  	[tilespmem:s15], [sflag:$0x1] =	stream.indirect_vreg.gather [hbm:s4], $0x80, v1, vm1, $0x38;
	[tilespmem:$0x50A0] =	vst v63  }
0x3e: {  	s18 =	simm.s32 $0x80;
	v1 =	vld.msk [tilespmem:s17+$0x0 ss:$0x1], $0xffff;
	s17 =	smov.u32 s14  }
.LBB2_3:
0x3f: {  	p1 =	sne.s32 s18, $0x100;
	_ =	sdelay $0x4  }
0x40: {  	v2 =	vand.u32 $0x1, v1;
	v3 =	vshll.u32 v1, $0x6  }
0x41: {  	vm2 =	veq.s32 v1, $0x80000000;
	vm3 =	veq.s32 v2, $0x1;
	v1 =	vand.u32 $0x7FFF80, v3  }
0x42: {  	v2 =	vsel vm3, $0x76C000, v0;
	v1 =	vsel vm2, $0xFFFFFF80, v1  }
0x43: {  	v2 =	vsel vm2, $0xFF894000, v2;
	v3 =	vand.u32 $0xFFFFFC00, v1  }
0x44: {  	v1 =	vand.u32 $0x380, v1;
	v2 =	vadd.s32 v2, v3  }
0x45: {  	v1 =	vor.u32 v1, v2  }
0x46: {  	v1 =	vshrl.u32 v1, $0x3;
	_ =	sdelay $0x3  }
.Ltmp3:
0x47: {  	s19 =	sshra.s32 s18, $0x2;
	s17 =	sadd.s32 $0x800, s17;
	(pc) =	sbr.rel @p1 .LBB2_3-.Ltmp3, $4  }
0x48: {  	[tilespmem:s17], [sflag:$0x1] =	stream.indirect_vreg.gather [hbm:s4], $0x80, v1, vm0, $0x38;
	[tilespmem:$0x50A0] =	vst v63  }
0x49: {  	s19 =	sadd.s32 s19, s16;
	s20 =	sadd.s32 $0x400, s17  }
0x4a: {  	[tilespmem:s20], [sflag:$0x1] =	stream.indirect_vreg.gather [hbm:s4], $0x80, v1, vm1, $0x38;
	[tilespmem:$0x50A0] =	vst v63  }
0x4b: {  	s18 =	sadd.s32 $0x40, s18;
	v1 =	vld.msk [tilespmem:s19+$0x0 ss:$0x1], $0xffff  }
0x4c: {  	_ =	sdelay $0x3  }
0x4d: {  	v2 =	vand.u32 $0x1, v1;
	v3 =	vshll.u32 v1, $0x6  }
0x4e: {  	vm2 =	veq.s32 v1, $0x80000000;
	vm3 =	veq.s32 v2, $0x1;
	v1 =	vand.u32 $0x7FFF80, v3  }
0x4f: {  	v2 =	vsel vm3, $0x76C000, v0;
	v1 =	vsel vm2, $0xFFFFFF80, v1  }
0x50: {  	v2 =	vsel vm2, $0xFF894000, v2;
	v3 =	vand.u32 $0xFFFFFC00, v1  }
0x51: {  	v1 =	vand.u32 $0x380, v1;
	v2 =	vadd.s32 v2, v3  }
0x52: {  	v1 =	vor.u32 v1, v2  }
0x53: {  	v1 =	vshrl.u32 v1, $0x3;
	_ =	sdelay $0x3  }
0x54: {  	s16 =	sadd.s32 $0x800, s17  }
0x55: {  	[tilespmem:s16], [sflag:$0x1] =	stream.indirect_vreg.gather [hbm:s4], $0x80, v1, vm0, $0x38;
	[tilespmem:$0x50A0] =	vst v63  }
0x56: {  	s16 =	sadd.s32 $0x400, s16  }
0x57: {  	[tilespmem:s16], [sflag:$0x1] =	stream.indirect_vreg.gather [hbm:s4], $0x80, v1, vm1, $0x38;
	[tilespmem:$0x50A0] =	vst v63  }
0x58: {  	s13 =	sshll.u32 s13, $0x4;
	_ =	swait.ge [sflag:s6], $0x2800  }
0x59: {  	s13 =	sadd.s32 s13, s9;
	[sflag:s6] =	ssyncset.done $0x0  }
0x5a: {  	s17 =	sadd.s32 $0x0, s13;
	s16 =	simm.s32 $0x80;
	[sflag:s6] =	ssyncadd.s32 $0xFFFFD800  }
.LBB2_5:
0x5b: {  	[hbm:s17] =	stream.linear.scatter [tilespmem:s14], [sflag:$0x3], $0x400, $0x38;
	[tilespmem:$0x50A0] =	vst v63  }
0x5c: {  	s17 =	smov.u32 s16;
	s14 =	smov.u32 s15;
	p1 =	sne.s32 s16, $0x480  }
.Ltmp4:
0x5d: {  	s16 =	sadd.s32 $0x80, s16;
	(pc) =	sbr.rel @p1 .LBB2_5-.Ltmp4, $2  }
0x5e: {  	_ =	sdelay $0x2  }
0x5f: {  	s15 =	sadd.s32 $0x400, s15;
	s17 =	sadd.s32 s17, s13  }
.Ltmp5:
0x60: {  	_ = 	snop;
	(pc) =	sbr.rel .LBB2_6-.Ltmp5, $1  }
0x61: {  	_ =	sdelay $0x3  }
.LBB2_8:
0x62: {  	_ =	sfence.sel $0x180000  }
0x63: {  	s1 =	simm.s32 $0x2;
	[bflag:$0x0] =	sbarrier.arrive $0xFFFF  }
0x64: {  	s30 =	simm.s32 $0x3;
	[sflag:s1] =	ssyncpa.u1 $0x1  }
0x65: {  	s31 =	simm.s32 $0x1;
	[sflag:s30] =	ssyncpa.u1 $0x1  }
0x66: {  	[sflag:s31] =	ssyncpa.u1 $0x1  }
0x67: {  	p0 =	sne.s32 s0, $0x0;
	_ =	strace $0x90000047  }
0x68: {  	s0 =	sadd.s32 @!p0 $0x100000, s2;
	[bflag:$0x2] =	sbarrier.arrive $0xFFFF  }
0x69: {  	[sflag:s0] =	ssyncadd.tile.s32 @!p0 $0x1;
	_ =	shalt  }
.Lfunc_end2:
_tile_overlayer_lowered:
.L_overlay_start_2:
0x6a: {  	(tag) =	ssettag $0x2  }
0x6b: {  	s0 =	rddreg [dreg:$0x0];
	s2 =	stileid.u32  }
0x6c: {  	s1 =	rddreg [dreg:$0x1];
	p0 =	sne.s32 s2, $0x0  }
0x6d: {  	s3 =	rddreg [dreg:$0x2];
	[bflag:$0x3] =	sbarrier.arrive $0xFFFF;
	s2 =	simm.s32 @!p0 $0x1C01  }
0x6e: {  	[timem:s3], [sflag:s2] =	dma.local @!p0 [hbm:s0], s1  }
0x6f: {  	s0 =	simm.s32 @!p0 $0x1  }
0x70: {  	_ =	swait.ge @!p0 [sflag:s0], s1  }
0x71: {  	s1 =	ssub.s32 @!p0 $0x0, s1;
	[sflag:s0] =	ssyncset.done @!p0 $0x0  }
0x72: {  	[sflag:s0] =	ssyncadd.s32 @!p0 s1  }
0x73: {  	[bflag:$0x3] =	sbarrier.arrive $0xFFFF  }
0x74: {  	_ =	shalt  }

</sc_bundles>
